<compile_context>
chip_gen: v7x
topology: tpu7x:2x2x1
jax: 0.10.2.dev20260603
libtpu: 0.0.44.dev20260713+nightly
codegen_flags: <defaults>
</compile_context>

<pallas_src>
import functools

import jax
import jax.numpy as jnp
from jax import lax
from jax.experimental import pallas as pl
from jax.experimental.pallas import tpu as pltpu
from jax.experimental.pallas import tpu_sc as plsc

VOCAB = 100002
EMB_DIM = 128
BATCH = 1024
SEQ = 200

_INFO = plsc.get_sparse_core_info()
_NC, _NS, _L = _INFO.num_cores, _INFO.num_subcores, _INFO.num_lanes
_NW = _NC * _NS
_B = BATCH * SEQ
_BPW = _B // _NW
_CHUNK = 200
_NBUF = 4
_NCHUNK = _BPW // _CHUNK


def _body(table_hbm, idx_hbm, out_hbm, mask_hbm,
          idx_v, mask_v, bufs, gsems, wsems):
    wid = lax.axis_index("s") * _NC + lax.axis_index("c")
    base = wid * _BPW

    pltpu.sync_copy(idx_hbm.at[pl.ds(base, _BPW)], idx_v)

    def gather(c):
        ids = idx_v.at[pl.ds(c * _CHUNK, _CHUNK)]
        b = c % _NBUF
        return pltpu.async_copy(table_hbm.at[ids], bufs[b], gsems[b])

    def writeout(c):
        dst = out_hbm.at[pl.ds(base + c * _CHUNK, _CHUNK)]
        b = c % _NBUF
        return pltpu.async_copy(bufs[b], dst, wsems[b])

    gh = {c: gather(c) for c in range(_NBUF)}

    def mask_step(i, _):
        v = idx_v[pl.ds(i * _L, _L)]
        mask_v[pl.ds(i * _L, _L)] = jnp.minimum(v, 1)
        return 0

    lax.fori_loop(0, _BPW // _L, mask_step, 0)
    pltpu.sync_copy(mask_v, mask_hbm.at[pl.ds(base, _BPW)])

    wh = {}
    for c in range(_NCHUNK):
        gh[c].wait()
        wh[c] = writeout(c)
        if c + _NBUF < _NCHUNK:
            wh[c].wait()
            gh[c + _NBUF] = gather(c + _NBUF)
    for c in range(max(0, _NCHUNK - _NBUF), _NCHUNK):
        wh[c].wait()


@jax.jit
def _embed(encoded_flat, table):
    mesh = plsc.VectorSubcoreMesh(core_axis_name="c", subcore_axis_name="s")
    out, mask = pl.kernel(
        _body,
        out_type=(
            jax.ShapeDtypeStruct((_B, EMB_DIM), jnp.float32),
            jax.ShapeDtypeStruct((_B,), jnp.int32),
        ),
        mesh=mesh,
        scratch_types=[
            pltpu.VMEM((_BPW,), jnp.int32),
            pltpu.VMEM((_BPW,), jnp.int32),
            [pltpu.VMEM((_CHUNK, EMB_DIM), jnp.float32) for _ in range(_NBUF)],
            [pltpu.SemaphoreType.DMA for _ in range(_NBUF)],
            [pltpu.SemaphoreType.DMA for _ in range(_NBUF)],
        ],
    )(table, encoded_flat)
    return out, mask


def kernel(encoded, table):
    encoded_flat = encoded.reshape(_B)
    out, mask = _embed(encoded_flat, table)
    return (out.reshape(BATCH, SEQ, EMB_DIM),
            mask.reshape(BATCH, SEQ),
            encoded)

# --- scband reference (transcript-rebuilt; emitter-appended) ---
"""Pipeline reference for scband-word-embedder-3178275799656 (READ-ONLY COPY).

The authoritative reference and input builder live on the scoring server;
editing this copy changes nothing except your own understanding.
"""

import jax, jax.numpy as jnp
import numpy as np

VOCAB = 100002  # 100000 glove words + PAD(0) + UNK(1)
EMB_DIM = 128
BATCH = 1024
SEQ = 200
PAD_IX = 0


def setup_inputs(seed: int = 0) -> dict:
    key = jax.random.key(seed)
    k1, k2 = jax.random.split(key)
    encoded = jax.random.randint(k1, (BATCH, SEQ), 0, VOCAB, dtype=jnp.int64 if jax.config.jax_enable_x64 else jnp.int32).astype(jnp.int32)
    table = jax.random.normal(k2, (VOCAB, EMB_DIM), dtype=jnp.float32) * 0.1
    # row 0 is the PAD vector (zeros), mirroring index_to_vect[0] = zeros
    table = table.at[0].set(0.0)
    return {"encoded": encoded, "table": table}


def reference(encoded, table):
    # Faithful core of WordEmbedder.forward: embedding lookup over padded,
    # already-encoded token ids plus the validity mask.
    output = jnp.take(table, encoded, axis=0)          # [B, L, D]
    mask = (encoded != PAD_IX).astype(jnp.int32)       # [B, L]
    return output, mask, encoded

if __name__ == "__main__":
    import jax
    _d = setup_inputs()
    print(jax.jit(kernel)(*tuple(_d.values())))

</pallas_src>

<mosaic_0001>
#map = affine_map<(d0, d1) -> (0, 0)>
#map1 = affine_map<(d0, d1) -> (0)>
module attributes {stable_mosaic.version = 14 : i64} {
  func.func @_body(%arg0: i32, %arg1: i32, %arg2: memref<100002x128xf32, #tpu.memory_space<hbm>>, %arg3: memref<204800xi32, #tpu.memory_space<hbm>>, %arg4: memref<204800x128xf32, #tpu.memory_space<hbm>>, %arg5: memref<204800xi32, #tpu.memory_space<hbm>>, %arg6: memref<6400xi32, #tpu.memory_space<vmem>>, %arg7: memref<6400xi32, #tpu.memory_space<vmem>>, %arg8: memref<200x128xf32, #tpu.memory_space<vmem>>, %arg9: memref<200x128xf32, #tpu.memory_space<vmem>>, %arg10: memref<200x128xf32, #tpu.memory_space<vmem>>, %arg11: memref<200x128xf32, #tpu.memory_space<vmem>>, %arg12: memref<!tpu.dma_semaphore, #tpu.memory_space<semaphore_mem>>, %arg13: memref<!tpu.dma_semaphore, #tpu.memory_space<semaphore_mem>>, %arg14: memref<!tpu.dma_semaphore, #tpu.memory_space<semaphore_mem>>, %arg15: memref<!tpu.dma_semaphore, #tpu.memory_space<semaphore_mem>>, %arg16: memref<!tpu.dma_semaphore, #tpu.memory_space<semaphore_mem>>, %arg17: memref<!tpu.dma_semaphore, #tpu.memory_space<semaphore_mem>>, %arg18: memref<!tpu.dma_semaphore, #tpu.memory_space<semaphore_mem>>, %arg19: memref<!tpu.dma_semaphore, #tpu.memory_space<semaphore_mem>>) attributes {dimension_semantics = [#tpu.dimension_semantics<core_parallel>, #tpu.dimension_semantics<subcore_parallel>], iteration_bounds = array<i64: 2, 16>, scalar_prefetch = 0 : i64, scratch_operands = 14 : i64, tpu.core_type = #tpu.core_type<sc_vector_subcore>, window_params = [{transform_indices = #map}, {transform_indices = #map1}, {transform_indices = #map}, {transform_indices = #map1}]} {
    %mul3A = arith.constant 2 : i32
    %mul3A_0 = arith.muli %arg1, %mul3A : i32
    %add3A = arith.addi %mul3A_0, %arg0 : i32
    %mul3A_1 = arith.constant 6400 : i32
    %mul3A_2 = arith.muli %add3A, %mul3A_1 : i32
    "tpu.region"() ({
      %run_scoped3A = tpu.sem_alloc : memref<!tpu.dma_semaphore, #tpu.memory_space<semaphore_mem>>
      %dma_start3A_647 = tpu.memref_slice %arg3[%mul3A_2] : memref<204800xi32, #tpu.memory_space<hbm>> -> memref<6400xi32, #tpu.memory_space<hbm>>
      %dma_start3A_648 = tpu.memref_slice %arg3[%mul3A_2] : memref<204800xi32, #tpu.memory_space<hbm>> -> memref<6400xi32, #tpu.memory_space<hbm>>
      tpu.enqueue_dma source(%dma_start3A_648 : memref<6400xi32, #tpu.memory_space<hbm>>) target(%arg6 : memref<6400xi32, #tpu.memory_space<vmem>>) target_semaphore(%run_scoped3A : memref<!tpu.dma_semaphore, #tpu.memory_space<semaphore_mem>>)
      %dma_wait3A_649 = tpu.memref_slice %arg3[%mul3A_2] : memref<204800xi32, #tpu.memory_space<hbm>> -> memref<6400xi32, #tpu.memory_space<hbm>>
      %dma_wait3A_650 = tpu.memref_slice %arg3[%mul3A_2] : memref<204800xi32, #tpu.memory_space<hbm>> -> memref<6400xi32, #tpu.memory_space<hbm>>
      tpu.wait_dma2 semaphore(%run_scoped3A : memref<!tpu.dma_semaphore, #tpu.memory_space<semaphore_mem>>) src(%dma_wait3A_650 : memref<6400xi32, #tpu.memory_space<hbm>>) dst(%arg6 : memref<6400xi32, #tpu.memory_space<vmem>>)
      tpu.yield
    }) : () -> ()
    %dma_start3A = arith.constant 0 : i32
    %dma_start3A_3 = tpu.memref_slice %arg6[%dma_start3A] : memref<6400xi32, #tpu.memory_space<vmem>> -> memref<200xi32, #tpu.memory_space<vmem>>
    %dma_start3A_4 = arith.constant 0 : i32
    %dma_start3A_5 = arith.constant 0 : i32
    %dma_start3A_6 = tpu.memref_slice %arg2[%dma_start3A_4, %dma_start3A_5] : memref<100002x128xf32, #tpu.memory_space<hbm>> -> memref<100002x128xf32, #tpu.memory_space<hbm>>
    tpu.enqueue_indirect_dma source(%dma_start3A_6 : memref<100002x128xf32, #tpu.memory_space<hbm>>) target(%arg8 : memref<200x128xf32, #tpu.memory_space<vmem>>) offsets(%dma_start3A_3 : memref<200xi32, #tpu.memory_space<vmem>>) semaphore(%arg12 : memref<!tpu.dma_semaphore, #tpu.memory_space<semaphore_mem>>)
    %dma_start3A_7 = arith.constant 200 : i32
    %dma_start3A_8 = tpu.memref_slice %arg6[%dma_start3A_7] : memref<6400xi32, #tpu.memory_space<vmem>> -> memref<200xi32, #tpu.memory_space<vmem>>
    %dma_start3A_9 = arith.constant 0 : i32
    %dma_start3A_10 = arith.constant 0 : i32
    %dma_start3A_11 = tpu.memref_slice %arg2[%dma_start3A_9, %dma_start3A_10] : memref<100002x128xf32, #tpu.memory_space<hbm>> -> memref<100002x128xf32, #tpu.memory_space<hbm>>
    tpu.enqueue_indirect_dma source(%dma_start3A_11 : memref<100002x128xf32, #tpu.memory_space<hbm>>) target(%arg9 : memref<200x128xf32, #tpu.memory_space<vmem>>) offsets(%dma_start3A_8 : memref<200xi32, #tpu.memory_space<vmem>>) semaphore(%arg13 : memref<!tpu.dma_semaphore, #tpu.memory_space<semaphore_mem>>)
    %dma_start3A_12 = arith.constant 400 : i32
    %dma_start3A_13 = tpu.memref_slice %arg6[%dma_start3A_12] : memref<6400xi32, #tpu.memory_space<vmem>> -> memref<200xi32, #tpu.memory_space<vmem>>
    %dma_start3A_14 = arith.constant 0 : i32
    %dma_start3A_15 = arith.constant 0 : i32
    %dma_start3A_16 = tpu.memref_slice %arg2[%dma_start3A_14, %dma_start3A_15] : memref<100002x128xf32, #tpu.memory_space<hbm>> -> memref<100002x128xf32, #tpu.memory_space<hbm>>
    tpu.enqueue_indirect_dma source(%dma_start3A_16 : memref<100002x128xf32, #tpu.memory_space<hbm>>) target(%arg10 : memref<200x128xf32, #tpu.memory_space<vmem>>) offsets(%dma_start3A_13 : memref<200xi32, #tpu.memory_space<vmem>>) semaphore(%arg14 : memref<!tpu.dma_semaphore, #tpu.memory_space<semaphore_mem>>)
    %dma_start3A_17 = arith.constant 600 : i32
    %dma_start3A_18 = tpu.memref_slice %arg6[%dma_start3A_17] : memref<6400xi32, #tpu.memory_space<vmem>> -> memref<200xi32, #tpu.memory_space<vmem>>
    %dma_start3A_19 = arith.constant 0 : i32
    %dma_start3A_20 = arith.constant 0 : i32
    %dma_start3A_21 = tpu.memref_slice %arg2[%dma_start3A_19, %dma_start3A_20] : memref<100002x128xf32, #tpu.memory_space<hbm>> -> memref<100002x128xf32, #tpu.memory_space<hbm>>
    tpu.enqueue_indirect_dma source(%dma_start3A_21 : memref<100002x128xf32, #tpu.memory_space<hbm>>) target(%arg11 : memref<200x128xf32, #tpu.memory_space<vmem>>) offsets(%dma_start3A_18 : memref<200xi32, #tpu.memory_space<vmem>>) semaphore(%arg15 : memref<!tpu.dma_semaphore, #tpu.memory_space<semaphore_mem>>)
    %scan3A = arith.constant 0 : i32
    %scan3A_22 = arith.constant 0 : i32
    %scan3A_23 = arith.constant 400 : i32
    %scan3A_24 = arith.addi %scan3A_22, %scan3A_23 : i32
    %scan3A_25 = arith.constant 1 : i32
    %scan3A_26 = scf.for %scan3A_647 = %scan3A_22 to %scan3A_24 step %scan3A_25 iter_args(%scan3A_648 = %scan3A) -> (i32)  : i32 {
      %mul3A_649 = arith.constant 16 : i32
      %mul3A_650 = arith.muli %scan3A_647, %mul3A_649 : i32
      %get3A = arith.index_cast %mul3A_650 : i32 to index
      %get3A_651 = tpu.vector_load %arg6[%get3A] {strides = array<i32>} : memref<6400xi32, #tpu.memory_space<vmem>>, vector<16xi32>,
      %get3A_652 = vector.shape_cast %get3A_651 : vector<16xi32> to vector<16xi32>
      %min3A = arith.constant 1 : i32
      %min3A_653 = vector.broadcast %min3A : i32 to vector<16xi32>
      %min3A_654 = arith.minsi %get3A_652, %min3A_653 : vector<16xi32>
      %mul3A_655 = arith.constant 16 : i32
      %mul3A_656 = arith.muli %scan3A_647, %mul3A_655 : i32
      %swap3A = arith.index_cast %mul3A_656 : i32 to index
      %swap3A_657 = tpu.vector_load %arg7[%swap3A] {strides = array<i32>} : memref<6400xi32, #tpu.memory_space<vmem>>, vector<16xi32>,
      %swap3A_658 = vector.shape_cast %swap3A_657 : vector<16xi32> to vector<16xi32>
      %swap3A_659 = vector.shape_cast %min3A_654 : vector<16xi32> to vector<16xi32>
      tpu.vector_store %arg7[%swap3A], %swap3A_659 {strides = array<i32>} : memref<6400xi32, #tpu.memory_space<vmem>>, vector<16xi32>,
      %scan3A_660 = arith.constant 0 : i32
      scf.yield %scan3A_660 : i32
    }
    %scan3A_27 = arith.constant 400 : i32
    "tpu.region"() ({
      %run_scoped3A = tpu.sem_alloc : memref<!tpu.dma_semaphore, #tpu.memory_space<semaphore_mem>>
      %dma_start3A_647 = tpu.memref_slice %arg5[%mul3A_2] : memref<204800xi32, #tpu.memory_space<hbm>> -> memref<6400xi32, #tpu.memory_space<hbm>>
      %dma_start3A_648 = tpu.memref_slice %arg5[%mul3A_2] : memref<204800xi32, #tpu.memory_space<hbm>> -> memref<6400xi32, #tpu.memory_space<hbm>>
      tpu.enqueue_dma source(%arg7 : memref<6400xi32, #tpu.memory_space<vmem>>) target(%dma_start3A_648 : memref<6400xi32, #tpu.memory_space<hbm>>) target_semaphore(%run_scoped3A : memref<!tpu.dma_semaphore, #tpu.memory_space<semaphore_mem>>)
      %dma_wait3A_649 = tpu.memref_slice %arg5[%mul3A_2] : memref<204800xi32, #tpu.memory_space<hbm>> -> memref<6400xi32, #tpu.memory_space<hbm>>
      %dma_wait3A_650 = tpu.memref_slice %arg5[%mul3A_2] : memref<204800xi32, #tpu.memory_space<hbm>> -> memref<6400xi32, #tpu.memory_space<hbm>>
      tpu.wait_dma2 semaphore(%run_scoped3A : memref<!tpu.dma_semaphore, #tpu.memory_space<semaphore_mem>>) src(%arg7 : memref<6400xi32, #tpu.memory_space<vmem>>) dst(%dma_wait3A_650 : memref<6400xi32, #tpu.memory_space<hbm>>)
      tpu.yield
    }) : () -> ()
    %dma_wait3A = arith.constant 0 : i32
    %dma_wait3A_28 = tpu.memref_slice %arg6[%dma_wait3A] : memref<6400xi32, #tpu.memory_space<vmem>> -> memref<200xi32, #tpu.memory_space<vmem>>
    %dma_wait3A_29 = arith.constant 0 : i32
    %dma_wait3A_30 = arith.constant 0 : i32
    %dma_wait3A_31 = tpu.memref_slice %arg2[%dma_wait3A_29, %dma_wait3A_30] : memref<100002x128xf32, #tpu.memory_space<hbm>> -> memref<100002x128xf32, #tpu.memory_space<hbm>>
    tpu.wait_indirect_dma semaphore(%arg12 : memref<!tpu.dma_semaphore, #tpu.memory_space<semaphore_mem>>) src(%dma_wait3A_31 : memref<100002x128xf32, #tpu.memory_space<hbm>>) dst(%arg8 : memref<200x128xf32, #tpu.memory_space<vmem>>)
    %add3A_32 = arith.constant 0 : i32
    %add3A_33 = arith.addi %mul3A_2, %add3A_32 : i32
    %dma_start3A_34 = arith.constant 0 : i32
    %dma_start3A_35 = tpu.memref_slice %arg4[%add3A_33, %dma_start3A_34] : memref<204800x128xf32, #tpu.memory_space<hbm>> -> memref<200x128xf32, #tpu.memory_space<hbm>>
    %dma_start3A_36 = arith.constant 0 : i32
    %dma_start3A_37 = tpu.memref_slice %arg4[%add3A_33, %dma_start3A_36] : memref<204800x128xf32, #tpu.memory_space<hbm>> -> memref<200x128xf32, #tpu.memory_space<hbm>>
    tpu.enqueue_dma source(%arg8 : memref<200x128xf32, #tpu.memory_space<vmem>>) target(%dma_start3A_37 : memref<200x128xf32, #tpu.memory_space<hbm>>) target_semaphore(%arg16 : memref<!tpu.dma_semaphore, #tpu.memory_space<semaphore_mem>>)
    %dma_wait3A_38 = arith.constant 0 : i32
    %dma_wait3A_39 = tpu.memref_slice %arg4[%add3A_33, %dma_wait3A_38] : memref<204800x128xf32, #tpu.memory_space<hbm>> -> memref<200x128xf32, #tpu.memory_space<hbm>>
    %dma_wait3A_40 = arith.constant 0 : i32
    %dma_wait3A_41 = tpu.memref_slice %arg4[%add3A_33, %dma_wait3A_40] : memref<204800x128xf32, #tpu.memory_space<hbm>> -> memref<200x128xf32, #tpu.memory_space<hbm>>
    tpu.wait_dma2 semaphore(%arg16 : memref<!tpu.dma_semaphore, #tpu.memory_space<semaphore_mem>>) src(%arg8 : memref<200x128xf32, #tpu.memory_space<vmem>>) dst(%dma_wait3A_41 : memref<200x128xf32, #tpu.memory_space<hbm>>)
    %dma_start3A_42 = arith.constant 800 : i32
    %dma_start3A_43 = tpu.memref_slice %arg6[%dma_start3A_42] : memref<6400xi32, #tpu.memory_space<vmem>> -> memref<200xi32, #tpu.memory_space<vmem>>
    %dma_start3A_44 = arith.constant 0 : i32
    %dma_start3A_45 = arith.constant 0 : i32
    %dma_start3A_46 = tpu.memref_slice %arg2[%dma_start3A_44, %dma_start3A_45] : memref<100002x128xf32, #tpu.memory_space<hbm>> -> memref<100002x128xf32, #tpu.memory_space<hbm>>
    tpu.enqueue_indirect_dma source(%dma_start3A_46 : memref<100002x128xf32, #tpu.memory_space<hbm>>) target(%arg8 : memref<200x128xf32, #tpu.memory_space<vmem>>) offsets(%dma_start3A_43 : memref<200xi32, #tpu.memory_space<vmem>>) semaphore(%arg12 : memref<!tpu.dma_semaphore, #tpu.memory_space<semaphore_mem>>)
    %dma_wait3A_47 = arith.constant 200 : i32
    %dma_wait3A_48 = tpu.memref_slice %arg6[%dma_wait3A_47] : memref<6400xi32, #tpu.memory_space<vmem>> -> memref<200xi32, #tpu.memory_space<vmem>>
    %dma_wait3A_49 = arith.constant 0 : i32
    %dma_wait3A_50 = arith.constant 0 : i32
    %dma_wait3A_51 = tpu.memref_slice %arg2[%dma_wait3A_49, %dma_wait3A_50] : memref<100002x128xf32, #tpu.memory_space<hbm>> -> memref<100002x128xf32, #tpu.memory_space<hbm>>
    tpu.wait_indirect_dma semaphore(%arg13 : memref<!tpu.dma_semaphore, #tpu.memory_space<semaphore_mem>>) src(%dma_wait3A_51 : memref<100002x128xf32, #tpu.memory_space<hbm>>) dst(%arg9 : memref<200x128xf32, #tpu.memory_space<vmem>>)
    %add3A_52 = arith.constant 200 : i32
    %add3A_53 = arith.addi %mul3A_2, %add3A_52 : i32
    %dma_start3A_54 = arith.constant 0 : i32
    %dma_start3A_55 = tpu.memref_slice %arg4[%add3A_53, %dma_start3A_54] : memref<204800x128xf32, #tpu.memory_space<hbm>> -> memref<200x128xf32, #tpu.memory_space<hbm>>
    %dma_start3A_56 = arith.constant 0 : i32
    %dma_start3A_57 = tpu.memref_slice %arg4[%add3A_53, %dma_start3A_56] : memref<204800x128xf32, #tpu.memory_space<hbm>> -> memref<200x128xf32, #tpu.memory_space<hbm>>
    tpu.enqueue_dma source(%arg9 : memref<200x128xf32, #tpu.memory_space<vmem>>) target(%dma_start3A_57 : memref<200x128xf32, #tpu.memory_space<hbm>>) target_semaphore(%arg17 : memref<!tpu.dma_semaphore, #tpu.memory_space<semaphore_mem>>)
    %dma_wait3A_58 = arith.constant 0 : i32
    %dma_wait3A_59 = tpu.memref_slice %arg4[%add3A_53, %dma_wait3A_58] : memref<204800x128xf32, #tpu.memory_space<hbm>> -> memref<200x128xf32, #tpu.memory_space<hbm>>
    %dma_wait3A_60 = arith.constant 0 : i32
    %dma_wait3A_61 = tpu.memref_slice %arg4[%add3A_53, %dma_wait3A_60] : memref<204800x128xf32, #tpu.memory_space<hbm>> -> memref<200x128xf32, #tpu.memory_space<hbm>>
    tpu.wait_dma2 semaphore(%arg17 : memref<!tpu.dma_semaphore, #tpu.memory_space<semaphore_mem>>) src(%arg9 : memref<200x128xf32, #tpu.memory_space<vmem>>) dst(%dma_wait3A_61 : memref<200x128xf32, #tpu.memory_space<hbm>>)
    %dma_start3A_62 = arith.constant 1000 : i32
    %dma_start3A_63 = tpu.memref_slice %arg6[%dma_start3A_62] : memref<6400xi32, #tpu.memory_space<vmem>> -> memref<200xi32, #tpu.memory_space<vmem>>
    %dma_start3A_64 = arith.constant 0 : i32
    %dma_start3A_65 = arith.constant 0 : i32
    %dma_start3A_66 = tpu.memref_slice %arg2[%dma_start3A_64, %dma_start3A_65] : memref<100002x128xf32, #tpu.memory_space<hbm>> -> memref<100002x128xf32, #tpu.memory_space<hbm>>
    tpu.enqueue_indirect_dma source(%dma_start3A_66 : memref<100002x128xf32, #tpu.memory_space<hbm>>) target(%arg9 : memref<200x128xf32, #tpu.memory_space<vmem>>) offsets(%dma_start3A_63 : memref<200xi32, #tpu.memory_space<vmem>>) semaphore(%arg13 : memref<!tpu.dma_semaphore, #tpu.memory_space<semaphore_mem>>)
    %dma_wait3A_67 = arith.constant 400 : i32
    %dma_wait3A_68 = tpu.memref_slice %arg6[%dma_wait3A_67] : memref<6400xi32, #tpu.memory_space<vmem>> -> memref<200xi32, #tpu.memory_space<vmem>>
    %dma_wait3A_69 = arith.constant 0 : i32
    %dma_wait3A_70 = arith.constant 0 : i32
    %dma_wait3A_71 = tpu.memref_slice %arg2[%dma_wait3A_69, %dma_wait3A_70] : memref<100002x128xf32, #tpu.memory_space<hbm>> -> memref<100002x128xf32, #tpu.memory_space<hbm>>
    tpu.wait_indirect_dma semaphore(%arg14 : memref<!tpu.dma_semaphore, #tpu.memory_space<semaphore_mem>>) src(%dma_wait3A_71 : memref<100002x128xf32, #tpu.memory_space<hbm>>) dst(%arg10 : memref<200x128xf32, #tpu.memory_space<vmem>>)
    %add3A_72 = arith.constant 400 : i32
    %add3A_73 = arith.addi %mul3A_2, %add3A_72 : i32
    %dma_start3A_74 = arith.constant 0 : i32
    %dma_start3A_75 = tpu.memref_slice %arg4[%add3A_73, %dma_start3A_74] : memref<204800x128xf32, #tpu.memory_space<hbm>> -> memref<200x128xf32, #tpu.memory_space<hbm>>
    %dma_start3A_76 = arith.constant 0 : i32
    %dma_start3A_77 = tpu.memref_slice %arg4[%add3A_73, %dma_start3A_76] : memref<204800x128xf32, #tpu.memory_space<hbm>> -> memref<200x128xf32, #tpu.memory_space<hbm>>
    tpu.enqueue_dma source(%arg10 : memref<200x128xf32, #tpu.memory_space<vmem>>) target(%dma_start3A_77 : memref<200x128xf32, #tpu.memory_space<hbm>>) target_semaphore(%arg18 : memref<!tpu.dma_semaphore, #tpu.memory_space<semaphore_mem>>)
    %dma_wait3A_78 = arith.constant 0 : i32
    %dma_wait3A_79 = tpu.memref_slice %arg4[%add3A_73, %dma_wait3A_78] : memref<204800x128xf32, #tpu.memory_space<hbm>> -> memref<200x128xf32, #tpu.memory_space<hbm>>
    %dma_wait3A_80 = arith.constant 0 : i32
    %dma_wait3A_81 = tpu.memref_slice %arg4[%add3A_73, %dma_wait3A_80] : memref<204800x128xf32, #tpu.memory_space<hbm>> -> memref<200x128xf32, #tpu.memory_space<hbm>>
    tpu.wait_dma2 semaphore(%arg18 : memref<!tpu.dma_semaphore, #tpu.memory_space<semaphore_mem>>) src(%arg10 : memref<200x128xf32, #tpu.memory_space<vmem>>) dst(%dma_wait3A_81 : memref<200x128xf32, #tpu.memory_space<hbm>>)
    %dma_start3A_82 = arith.constant 1200 : i32
    %dma_start3A_83 = tpu.memref_slice %arg6[%dma_start3A_82] : memref<6400xi32, #tpu.memory_space<vmem>> -> memref<200xi32, #tpu.memory_space<vmem>>
    %dma_start3A_84 = arith.constant 0 : i32
    %dma_start3A_85 = arith.constant 0 : i32
    %dma_start3A_86 = tpu.memref_slice %arg2[%dma_start3A_84, %dma_start3A_85] : memref<100002x128xf32, #tpu.memory_space<hbm>> -> memref<100002x128xf32, #tpu.memory_space<hbm>>
    tpu.enqueue_indirect_dma source(%dma_start3A_86 : memref<100002x128xf32, #tpu.memory_space<hbm>>) target(%arg10 : memref<200x128xf32, #tpu.memory_space<vmem>>) offsets(%dma_start3A_83 : memref<200xi32, #tpu.memory_space<vmem>>) semaphore(%arg14 : memref<!tpu.dma_semaphore, #tpu.memory_space<semaphore_mem>>)
    %dma_wait3A_87 = arith.constant 600 : i32
    %dma_wait3A_88 = tpu.memref_slice %arg6[%dma_wait3A_87] : memref<6400xi32, #tpu.memory_space<vmem>> -> memref<200xi32, #tpu.memory_space<vmem>>
    %dma_wait3A_89 = arith.constant 0 : i32
    %dma_wait3A_90 = arith.constant 0 : i32
    %dma_wait3A_91 = tpu.memref_slice %arg2[%dma_wait3A_89, %dma_wait3A_90] : memref<100002x128xf32, #tpu.memory_space<hbm>> -> memref<100002x128xf32, #tpu.memory_space<hbm>>
    tpu.wait_indirect_dma semaphore(%arg15 : memref<!tpu.dma_semaphore, #tpu.memory_space<semaphore_mem>>) src(%dma_wait3A_91 : memref<100002x128xf32, #tpu.memory_space<hbm>>) dst(%arg11 : memref<200x128xf32, #tpu.memory_space<vmem>>)
    %add3A_92 = arith.constant 600 : i32
    %add3A_93 = arith.addi %mul3A_2, %add3A_92 : i32
    %dma_start3A_94 = arith.constant 0 : i32
    %dma_start3A_95 = tpu.memref_slice %arg4[%add3A_93, %dma_start3A_94] : memref<204800x128xf32, #tpu.memory_space<hbm>> -> memref<200x128xf32, #tpu.memory_space<hbm>>
    %dma_start3A_96 = arith.constant 0 : i32
    %dma_start3A_97 = tpu.memref_slice %arg4[%add3A_93, %dma_start3A_96] : memref<204800x128xf32, #tpu.memory_space<hbm>> -> memref<200x128xf32, #tpu.memory_space<hbm>>
    tpu.enqueue_dma source(%arg11 : memref<200x128xf32, #tpu.memory_space<vmem>>) target(%dma_start3A_97 : memref<200x128xf32, #tpu.memory_space<hbm>>) target_semaphore(%arg19 : memref<!tpu.dma_semaphore, #tpu.memory_space<semaphore_mem>>)
    %dma_wait3A_98 = arith.constant 0 : i32
    %dma_wait3A_99 = tpu.memref_slice %arg4[%add3A_93, %dma_wait3A_98] : memref<204800x128xf32, #tpu.memory_space<hbm>> -> memref<200x128xf32, #tpu.memory_space<hbm>>
    %dma_wait3A_100 = arith.constant 0 : i32
    %dma_wait3A_101 = tpu.memref_slice %arg4[%add3A_93, %dma_wait3A_100] : memref<204800x128xf32, #tpu.memory_space<hbm>> -> memref<200x128xf32, #tpu.memory_space<hbm>>
    tpu.wait_dma2 semaphore(%arg19 : memref<!tpu.dma_semaphore, #tpu.memory_space<semaphore_mem>>) src(%arg11 : memref<200x128xf32, #tpu.memory_space<vmem>>) dst(%dma_wait3A_101 : memref<200x128xf32, #tpu.memory_space<hbm>>)
    %dma_start3A_102 = arith.constant 1400 : i32
    %dma_start3A_103 = tpu.memref_slice %arg6[%dma_start3A_102] : memref<6400xi32, #tpu.memory_space<vmem>> -> memref<200xi32, #tpu.memory_space<vmem>>
    %dma_start3A_104 = arith.constant 0 : i32
    %dma_start3A_105 = arith.constant 0 : i32
    %dma_start3A_106 = tpu.memref_slice %arg2[%dma_start3A_104, %dma_start3A_105] : memref<100002x128xf32, #tpu.memory_space<hbm>> -> memref<100002x128xf32, #tpu.memory_space<hbm>>
    tpu.enqueue_indirect_dma source(%dma_start3A_106 : memref<100002x128xf32, #tpu.memory_space<hbm>>) target(%arg11 : memref<200x128xf32, #tpu.memory_space<vmem>>) offsets(%dma_start3A_103 : memref<200xi32, #tpu.memory_space<vmem>>) semaphore(%arg15 : memref<!tpu.dma_semaphore, #tpu.memory_space<semaphore_mem>>)
    %dma_wait3A_107 = arith.constant 800 : i32
    %dma_wait3A_108 = tpu.memref_slice %arg6[%dma_wait3A_107] : memref<6400xi32, #tpu.memory_space<vmem>> -> memref<200xi32, #tpu.memory_space<vmem>>
    %dma_wait3A_109 = arith.constant 0 : i32
    %dma_wait3A_110 = arith.constant 0 : i32
    %dma_wait3A_111 = tpu.memref_slice %arg2[%dma_wait3A_109, %dma_wait3A_110] : memref<100002x128xf32, #tpu.memory_space<hbm>> -> memref<100002x128xf32, #tpu.memory_space<hbm>>
    tpu.wait_indirect_dma semaphore(%arg12 : memref<!tpu.dma_semaphore, #tpu.memory_space<semaphore_mem>>) src(%dma_wait3A_111 : memref<100002x128xf32, #tpu.memory_space<hbm>>) dst(%arg8 : memref<200x128xf32, #tpu.memory_space<vmem>>)
    %add3A_112 = arith.constant 800 : i32
    %add3A_113 = arith.addi %mul3A_2, %add3A_112 : i32
    %dma_start3A_114 = arith.constant 0 : i32
    %dma_start3A_115 = tpu.memref_slice %arg4[%add3A_113, %dma_start3A_114] : memref<204800x128xf32, #tpu.memory_space<hbm>> -> memref<200x128xf32, #tpu.memory_space<hbm>>
    %dma_start3A_116 = arith.constant 0 : i32
    %dma_start3A_117 = tpu.memref_slice %arg4[%add3A_113, %dma_start3A_116] : memref<204800x128xf32, #tpu.memory_space<hbm>> -> memref<200x128xf32, #tpu.memory_space<hbm>>
    tpu.enqueue_dma source(%arg8 : memref<200x128xf32, #tpu.memory_space<vmem>>) target(%dma_start3A_117 : memref<200x128xf32, #tpu.memory_space<hbm>>) target_semaphore(%arg16 : memref<!tpu.dma_semaphore, #tpu.memory_space<semaphore_mem>>)
    %dma_wait3A_118 = arith.constant 0 : i32
    %dma_wait3A_119 = tpu.memref_slice %arg4[%add3A_113, %dma_wait3A_118] : memref<204800x128xf32, #tpu.memory_space<hbm>> -> memref<200x128xf32, #tpu.memory_space<hbm>>
    %dma_wait3A_120 = arith.constant 0 : i32
    %dma_wait3A_121 = tpu.memref_slice %arg4[%add3A_113, %dma_wait3A_120] : memref<204800x128xf32, #tpu.memory_space<hbm>> -> memref<200x128xf32, #tpu.memory_space<hbm>>
    tpu.wait_dma2 semaphore(%arg16 : memref<!tpu.dma_semaphore, #tpu.memory_space<semaphore_mem>>) src(%arg8 : memref<200x128xf32, #tpu.memory_space<vmem>>) dst(%dma_wait3A_121 : memref<200x128xf32, #tpu.memory_space<hbm>>)
    %dma_start3A_122 = arith.constant 1600 : i32
    %dma_start3A_123 = tpu.memref_slice %arg6[%dma_start3A_122] : memref<6400xi32, #tpu.memory_space<vmem>> -> memref<200xi32, #tpu.memory_space<vmem>>
    %dma_start3A_124 = arith.constant 0 : i32
    %dma_start3A_125 = arith.constant 0 : i32
    %dma_start3A_126 = tpu.memref_slice %arg2[%dma_start3A_124, %dma_start3A_125] : memref<100002x128xf32, #tpu.memory_space<hbm>> -> memref<100002x128xf32, #tpu.memory_space<hbm>>
    tpu.enqueue_indirect_dma source(%dma_start3A_126 : memref<100002x128xf32, #tpu.memory_space<hbm>>) target(%arg8 : memref<200x128xf32, #tpu.memory_space<vmem>>) offsets(%dma_start3A_123 : memref<200xi32, #tpu.memory_space<vmem>>) semaphore(%arg12 : memref<!tpu.dma_semaphore, #tpu.memory_space<semaphore_mem>>)
    %dma_wait3A_127 = arith.constant 1000 : i32
    %dma_wait3A_128 = tpu.memref_slice %arg6[%dma_wait3A_127] : memref<6400xi32, #tpu.memory_space<vmem>> -> memref<200xi32, #tpu.memory_space<vmem>>
    %dma_wait3A_129 = arith.constant 0 : i32
    %dma_wait3A_130 = arith.constant 0 : i32
    %dma_wait3A_131 = tpu.memref_slice %arg2[%dma_wait3A_129, %dma_wait3A_130] : memref<100002x128xf32, #tpu.memory_space<hbm>> -> memref<100002x128xf32, #tpu.memory_space<hbm>>
    tpu.wait_indirect_dma semaphore(%arg13 : memref<!tpu.dma_semaphore, #tpu.memory_space<semaphore_mem>>) src(%dma_wait3A_131 : memref<100002x128xf32, #tpu.memory_space<hbm>>) dst(%arg9 : memref<200x128xf32, #tpu.memory_space<vmem>>)
    %add3A_132 = arith.constant 1000 : i32
    %add3A_133 = arith.addi %mul3A_2, %add3A_132 : i32
    %dma_start3A_134 = arith.constant 0 : i32
    %dma_start3A_135 = tpu.memref_slice %arg4[%add3A_133, %dma_start3A_134] : memref<204800x128xf32, #tpu.memory_space<hbm>> -> memref<200x128xf32, #tpu.memory_space<hbm>>
    %dma_start3A_136 = arith.constant 0 : i32
    %dma_start3A_137 = tpu.memref_slice %arg4[%add3A_133, %dma_start3A_136] : memref<204800x128xf32, #tpu.memory_space<hbm>> -> memref<200x128xf32, #tpu.memory_space<hbm>>
    tpu.enqueue_dma source(%arg9 : memref<200x128xf32, #tpu.memory_space<vmem>>) target(%dma_start3A_137 : memref<200x128xf32, #tpu.memory_space<hbm>>) target_semaphore(%arg17 : memref<!tpu.dma_semaphore, #tpu.memory_space<semaphore_mem>>)
    %dma_wait3A_138 = arith.constant 0 : i32
    %dma_wait3A_139 = tpu.memref_slice %arg4[%add3A_133, %dma_wait3A_138] : memref<204800x128xf32, #tpu.memory_space<hbm>> -> memref<200x128xf32, #tpu.memory_space<hbm>>
    %dma_wait3A_140 = arith.constant 0 : i32
    %dma_wait3A_141 = tpu.memref_slice %arg4[%add3A_133, %dma_wait3A_140] : memref<204800x128xf32, #tpu.memory_space<hbm>> -> memref<200x128xf32, #tpu.memory_space<hbm>>
    tpu.wait_dma2 semaphore(%arg17 : memref<!tpu.dma_semaphore, #tpu.memory_space<semaphore_mem>>) src(%arg9 : memref<200x128xf32, #tpu.memory_space<vmem>>) dst(%dma_wait3A_141 : memref<200x128xf32, #tpu.memory_space<hbm>>)
    %dma_start3A_142 = arith.constant 1800 : i32
    %dma_start3A_143 = tpu.memref_slice %arg6[%dma_start3A_142] : memref<6400xi32, #tpu.memory_space<vmem>> -> memref<200xi32, #tpu.memory_space<vmem>>
    %dma_start3A_144 = arith.constant 0 : i32
    %dma_start3A_145 = arith.constant 0 : i32
    %dma_start3A_146 = tpu.memref_slice %arg2[%dma_start3A_144, %dma_start3A_145] : memref<100002x128xf32, #tpu.memory_space<hbm>> -> memref<100002x128xf32, #tpu.memory_space<hbm>>
    tpu.enqueue_indirect_dma source(%dma_start3A_146 : memref<100002x128xf32, #tpu.memory_space<hbm>>) target(%arg9 : memref<200x128xf32, #tpu.memory_space<vmem>>) offsets(%dma_start3A_143 : memref<200xi32, #tpu.memory_space<vmem>>) semaphore(%arg13 : memref<!tpu.dma_semaphore, #tpu.memory_space<semaphore_mem>>)
    %dma_wait3A_147 = arith.constant 1200 : i32
    %dma_wait3A_148 = tpu.memref_slice %arg6[%dma_wait3A_147] : memref<6400xi32, #tpu.memory_space<vmem>> -> memref<200xi32, #tpu.memory_space<vmem>>
    %dma_wait3A_149 = arith.constant 0 : i32
    %dma_wait3A_150 = arith.constant 0 : i32
    %dma_wait3A_151 = tpu.memref_slice %arg2[%dma_wait3A_149, %dma_wait3A_150] : memref<100002x128xf32, #tpu.memory_space<hbm>> -> memref<100002x128xf32, #tpu.memory_space<hbm>>
    tpu.wait_indirect_dma semaphore(%arg14 : memref<!tpu.dma_semaphore, #tpu.memory_space<semaphore_mem>>) src(%dma_wait3A_151 : memref<100002x128xf32, #tpu.memory_space<hbm>>) dst(%arg10 : memref<200x128xf32, #tpu.memory_space<vmem>>)
    %add3A_152 = arith.constant 1200 : i32
    %add3A_153 = arith.addi %mul3A_2, %add3A_152 : i32
    %dma_start3A_154 = arith.constant 0 : i32
    %dma_start3A_155 = tpu.memref_slice %arg4[%add3A_153, %dma_start3A_154] : memref<204800x128xf32, #tpu.memory_space<hbm>> -> memref<200x128xf32, #tpu.memory_space<hbm>>
    %dma_start3A_156 = arith.constant 0 : i32
    %dma_start3A_157 = tpu.memref_slice %arg4[%add3A_153, %dma_start3A_156] : memref<204800x128xf32, #tpu.memory_space<hbm>> -> memref<200x128xf32, #tpu.memory_space<hbm>>
    tpu.enqueue_dma source(%arg10 : memref<200x128xf32, #tpu.memory_space<vmem>>) target(%dma_start3A_157 : memref<200x128xf32, #tpu.memory_space<hbm>>) target_semaphore(%arg18 : memref<!tpu.dma_semaphore, #tpu.memory_space<semaphore_mem>>)
    %dma_wait3A_158 = arith.constant 0 : i32
    %dma_wait3A_159 = tpu.memref_slice %arg4[%add3A_153, %dma_wait3A_158] : memref<204800x128xf32, #tpu.memory_space<hbm>> -> memref<200x128xf32, #tpu.memory_space<hbm>>
    %dma_wait3A_160 = arith.constant 0 : i32
    %dma_wait3A_161 = tpu.memref_slice %arg4[%add3A_153, %dma_wait3A_160] : memref<204800x128xf32, #tpu.memory_space<hbm>> -> memref<200x128xf32, #tpu.memory_space<hbm>>
    tpu.wait_dma2 semaphore(%arg18 : memref<!tpu.dma_semaphore, #tpu.memory_space<semaphore_mem>>) src(%arg10 : memref<200x128xf32, #tpu.memory_space<vmem>>) dst(%dma_wait3A_161 : memref<200x128xf32, #tpu.memory_space<hbm>>)
    %dma_start3A_162 = arith.constant 2000 : i32
    %dma_start3A_163 = tpu.memref_slice %arg6[%dma_start3A_162] : memref<6400xi32, #tpu.memory_space<vmem>> -> memref<200xi32, #tpu.memory_space<vmem>>
    %dma_start3A_164 = arith.constant 0 : i32
    %dma_start3A_165 = arith.constant 0 : i32
    %dma_start3A_166 = tpu.memref_slice %arg2[%dma_start3A_164, %dma_start3A_165] : memref<100002x128xf32, #tpu.memory_space<hbm>> -> memref<100002x128xf32, #tpu.memory_space<hbm>>
    tpu.enqueue_indirect_dma source(%dma_start3A_166 : memref<100002x128xf32, #tpu.memory_space<hbm>>) target(%arg10 : memref<200x128xf32, #tpu.memory_space<vmem>>) offsets(%dma_start3A_163 : memref<200xi32, #tpu.memory_space<vmem>>) semaphore(%arg14 : memref<!tpu.dma_semaphore, #tpu.memory_space<semaphore_mem>>)
    %dma_wait3A_167 = arith.constant 1400 : i32
    %dma_wait3A_168 = tpu.memref_slice %arg6[%dma_wait3A_167] : memref<6400xi32, #tpu.memory_space<vmem>> -> memref<200xi32, #tpu.memory_space<vmem>>
    %dma_wait3A_169 = arith.constant 0 : i32
    %dma_wait3A_170 = arith.constant 0 : i32
    %dma_wait3A_171 = tpu.memref_slice %arg2[%dma_wait3A_169, %dma_wait3A_170] : memref<100002x128xf32, #tpu.memory_space<hbm>> -> memref<100002x128xf32, #tpu.memory_space<hbm>>
    tpu.wait_indirect_dma semaphore(%arg15 : memref<!tpu.dma_semaphore, #tpu.memory_space<semaphore_mem>>) src(%dma_wait3A_171 : memref<100002x128xf32, #tpu.memory_space<hbm>>) dst(%arg11 : memref<200x128xf32, #tpu.memory_space<vmem>>)
    %add3A_172 = arith.constant 1400 : i32
    %add3A_173 = arith.addi %mul3A_2, %add3A_172 : i32
    %dma_start3A_174 = arith.constant 0 : i32
    %dma_start3A_175 = tpu.memref_slice %arg4[%add3A_173, %dma_start3A_174] : memref<204800x128xf32, #tpu.memory_space<hbm>> -> memref<200x128xf32, #tpu.memory_space<hbm>>
    %dma_start3A_176 = arith.constant 0 : i32
    %dma_start3A_177 = tpu.memref_slice %arg4[%add3A_173, %dma_start3A_176] : memref<204800x128xf32, #tpu.memory_space<hbm>> -> memref<200x128xf32, #tpu.memory_space<hbm>>
    tpu.enqueue_dma source(%arg11 : memref<200x128xf32, #tpu.memory_space<vmem>>) target(%dma_start3A_177 : memref<200x128xf32, #tpu.memory_space<hbm>>) target_semaphore(%arg19 : memref<!tpu.dma_semaphore, #tpu.memory_space<semaphore_mem>>)
    %dma_wait3A_178 = arith.constant 0 : i32
    %dma_wait3A_179 = tpu.memref_slice %arg4[%add3A_173, %dma_wait3A_178] : memref<204800x128xf32, #tpu.memory_space<hbm>> -> memref<200x128xf32, #tpu.memory_space<hbm>>
    %dma_wait3A_180 = arith.constant 0 : i32
    %dma_wait3A_181 = tpu.memref_slice %arg4[%add3A_173, %dma_wait3A_180] : memref<204800x128xf32, #tpu.memory_space<hbm>> -> memref<200x128xf32, #tpu.memory_space<hbm>>
    tpu.wait_dma2 semaphore(%arg19 : memref<!tpu.dma_semaphore, #tpu.memory_space<semaphore_mem>>) src(%arg11 : memref<200x128xf32, #tpu.memory_space<vmem>>) dst(%dma_wait3A_181 : memref<200x128xf32, #tpu.memory_space<hbm>>)
    %dma_start3A_182 = arith.constant 2200 : i32
    %dma_start3A_183 = tpu.memref_slice %arg6[%dma_start3A_182] : memref<6400xi32, #tpu.memory_space<vmem>> -> memref<200xi32, #tpu.memory_space<vmem>>
    %dma_start3A_184 = arith.constant 0 : i32
    %dma_start3A_185 = arith.constant 0 : i32
    %dma_start3A_186 = tpu.memref_slice %arg2[%dma_start3A_184, %dma_start3A_185] : memref<100002x128xf32, #tpu.memory_space<hbm>> -> memref<100002x128xf32, #tpu.memory_space<hbm>>
    tpu.enqueue_indirect_dma source(%dma_start3A_186 : memref<100002x128xf32, #tpu.memory_space<hbm>>) target(%arg11 : memref<200x128xf32, #tpu.memory_space<vmem>>) offsets(%dma_start3A_183 : memref<200xi32, #tpu.memory_space<vmem>>) semaphore(%arg15 : memref<!tpu.dma_semaphore, #tpu.memory_space<semaphore_mem>>)
    %dma_wait3A_187 = arith.constant 1600 : i32
    %dma_wait3A_188 = tpu.memref_slice %arg6[%dma_wait3A_187] : memref<6400xi32, #tpu.memory_space<vmem>> -> memref<200xi32, #tpu.memory_space<vmem>>
    %dma_wait3A_189 = arith.constant 0 : i32
    %dma_wait3A_190 = arith.constant 0 : i32
    %dma_wait3A_191 = tpu.memref_slice %arg2[%dma_wait3A_189, %dma_wait3A_190] : memref<100002x128xf32, #tpu.memory_space<hbm>> -> memref<100002x128xf32, #tpu.memory_space<hbm>>
    tpu.wait_indirect_dma semaphore(%arg12 : memref<!tpu.dma_semaphore, #tpu.memory_space<semaphore_mem>>) src(%dma_wait3A_191 : memref<100002x128xf32, #tpu.memory_space<hbm>>) dst(%arg8 : memref<200x128xf32, #tpu.memory_space<vmem>>)
    %add3A_192 = arith.constant 1600 : i32
    %add3A_193 = arith.addi %mul3A_2, %add3A_192 : i32
    %dma_start3A_194 = arith.constant 0 : i32
    %dma_start3A_195 = tpu.memref_slice %arg4[%add3A_193, %dma_start3A_194] : memref<204800x128xf32, #tpu.memory_space<hbm>> -> memref<200x128xf32, #tpu.memory_space<hbm>>
    %dma_start3A_196 = arith.constant 0 : i32
    %dma_start3A_197 = tpu.memref_slice %arg4[%add3A_193, %dma_start3A_196] : memref<204800x128xf32, #tpu.memory_space<hbm>> -> memref<200x128xf32, #tpu.memory_space<hbm>>
    tpu.enqueue_dma source(%arg8 : memref<200x128xf32, #tpu.memory_space<vmem>>) target(%dma_start3A_197 : memref<200x128xf32, #tpu.memory_space<hbm>>) target_semaphore(%arg16 : memref<!tpu.dma_semaphore, #tpu.memory_space<semaphore_mem>>)
    %dma_wait3A_198 = arith.constant 0 : i32
    %dma_wait3A_199 = tpu.memref_slice %arg4[%add3A_193, %dma_wait3A_198] : memref<204800x128xf32, #tpu.memory_space<hbm>> -> memref<200x128xf32, #tpu.memory_space<hbm>>
    %dma_wait3A_200 = arith.constant 0 : i32
    %dma_wait3A_201 = tpu.memref_slice %arg4[%add3A_193, %dma_wait3A_200] : memref<204800x128xf32, #tpu.memory_space<hbm>> -> memref<200x128xf32, #tpu.memory_space<hbm>>
    tpu.wait_dma2 semaphore(%arg16 : memref<!tpu.dma_semaphore, #tpu.memory_space<semaphore_mem>>) src(%arg8 : memref<200x128xf32, #tpu.memory_space<vmem>>) dst(%dma_wait3A_201 : memref<200x128xf32, #tpu.memory_space<hbm>>)
    %dma_start3A_202 = arith.constant 2400 : i32
    %dma_start3A_203 = tpu.memref_slice %arg6[%dma_start3A_202] : memref<6400xi32, #tpu.memory_space<vmem>> -> memref<200xi32, #tpu.memory_space<vmem>>
    %dma_start3A_204 = arith.constant 0 : i32
    %dma_start3A_205 = arith.constant 0 : i32
    %dma_start3A_206 = tpu.memref_slice %arg2[%dma_start3A_204, %dma_start3A_205] : memref<100002x128xf32, #tpu.memory_space<hbm>> -> memref<100002x128xf32, #tpu.memory_space<hbm>>
    tpu.enqueue_indirect_dma source(%dma_start3A_206 : memref<100002x128xf32, #tpu.memory_space<hbm>>) target(%arg8 : memref<200x128xf32, #tpu.memory_space<vmem>>) offsets(%dma_start3A_203 : memref<200xi32, #tpu.memory_space<vmem>>) semaphore(%arg12 : memref<!tpu.dma_semaphore, #tpu.memory_space<semaphore_mem>>)
    %dma_wait3A_207 = arith.constant 1800 : i32
    %dma_wait3A_208 = tpu.memref_slice %arg6[%dma_wait3A_207] : memref<6400xi32, #tpu.memory_space<vmem>> -> memref<200xi32, #tpu.memory_space<vmem>>
    %dma_wait3A_209 = arith.constant 0 : i32
    %dma_wait3A_210 = arith.constant 0 : i32
    %dma_wait3A_211 = tpu.memref_slice %arg2[%dma_wait3A_209, %dma_wait3A_210] : memref<100002x128xf32, #tpu.memory_space<hbm>> -> memref<100002x128xf32, #tpu.memory_space<hbm>>
    tpu.wait_indirect_dma semaphore(%arg13 : memref<!tpu.dma_semaphore, #tpu.memory_space<semaphore_mem>>) src(%dma_wait3A_211 : memref<100002x128xf32, #tpu.memory_space<hbm>>) dst(%arg9 : memref<200x128xf32, #tpu.memory_space<vmem>>)
    %add3A_212 = arith.constant 1800 : i32
    %add3A_213 = arith.addi %mul3A_2, %add3A_212 : i32
    %dma_start3A_214 = arith.constant 0 : i32
    %dma_start3A_215 = tpu.memref_slice %arg4[%add3A_213, %dma_start3A_214] : memref<204800x128xf32, #tpu.memory_space<hbm>> -> memref<200x128xf32, #tpu.memory_space<hbm>>
    %dma_start3A_216 = arith.constant 0 : i32
    %dma_start3A_217 = tpu.memref_slice %arg4[%add3A_213, %dma_start3A_216] : memref<204800x128xf32, #tpu.memory_space<hbm>> -> memref<200x128xf32, #tpu.memory_space<hbm>>
    tpu.enqueue_dma source(%arg9 : memref<200x128xf32, #tpu.memory_space<vmem>>) target(%dma_start3A_217 : memref<200x128xf32, #tpu.memory_space<hbm>>) target_semaphore(%arg17 : memref<!tpu.dma_semaphore, #tpu.memory_space<semaphore_mem>>)
    %dma_wait3A_218 = arith.constant 0 : i32
    %dma_wait3A_219 = tpu.memref_slice %arg4[%add3A_213, %dma_wait3A_218] : memref<204800x128xf32, #tpu.memory_space<hbm>> -> memref<200x128xf32, #tpu.memory_space<hbm>>
    %dma_wait3A_220 = arith.constant 0 : i32
    %dma_wait3A_221 = tpu.memref_slice %arg4[%add3A_213, %dma_wait3A_220] : memref<204800x128xf32, #tpu.memory_space<hbm>> -> memref<200x128xf32, #tpu.memory_space<hbm>>
    tpu.wait_dma2 semaphore(%arg17 : memref<!tpu.dma_semaphore, #tpu.memory_space<semaphore_mem>>) src(%arg9 : memref<200x128xf32, #tpu.memory_space<vmem>>) dst(%dma_wait3A_221 : memref<200x128xf32, #tpu.memory_space<hbm>>)
    %dma_start3A_222 = arith.constant 2600 : i32
    %dma_start3A_223 = tpu.memref_slice %arg6[%dma_start3A_222] : memref<6400xi32, #tpu.memory_space<vmem>> -> memref<200xi32, #tpu.memory_space<vmem>>
    %dma_start3A_224 = arith.constant 0 : i32
    %dma_start3A_225 = arith.constant 0 : i32
    %dma_start3A_226 = tpu.memref_slice %arg2[%dma_start3A_224, %dma_start3A_225] : memref<100002x128xf32, #tpu.memory_space<hbm>> -> memref<100002x128xf32, #tpu.memory_space<hbm>>
    tpu.enqueue_indirect_dma source(%dma_start3A_226 : memref<100002x128xf32, #tpu.memory_space<hbm>>) target(%arg9 : memref<200x128xf32, #tpu.memory_space<vmem>>) offsets(%dma_start3A_223 : memref<200xi32, #tpu.memory_space<vmem>>) semaphore(%arg13 : memref<!tpu.dma_semaphore, #tpu.memory_space<semaphore_mem>>)
    %dma_wait3A_227 = arith.constant 2000 : i32
    %dma_wait3A_228 = tpu.memref_slice %arg6[%dma_wait3A_227] : memref<6400xi32, #tpu.memory_space<vmem>> -> memref<200xi32, #tpu.memory_space<vmem>>
    %dma_wait3A_229 = arith.constant 0 : i32
    %dma_wait3A_230 = arith.constant 0 : i32
    %dma_wait3A_231 = tpu.memref_slice %arg2[%dma_wait3A_229, %dma_wait3A_230] : memref<100002x128xf32, #tpu.memory_space<hbm>> -> memref<100002x128xf32, #tpu.memory_space<hbm>>
    tpu.wait_indirect_dma semaphore(%arg14 : memref<!tpu.dma_semaphore, #tpu.memory_space<semaphore_mem>>) src(%dma_wait3A_231 : memref<100002x128xf32, #tpu.memory_space<hbm>>) dst(%arg10 : memref<200x128xf32, #tpu.memory_space<vmem>>)
    %add3A_232 = arith.constant 2000 : i32
    %add3A_233 = arith.addi %mul3A_2, %add3A_232 : i32
    %dma_start3A_234 = arith.constant 0 : i32
    %dma_start3A_235 = tpu.memref_slice %arg4[%add3A_233, %dma_start3A_234] : memref<204800x128xf32, #tpu.memory_space<hbm>> -> memref<200x128xf32, #tpu.memory_space<hbm>>
    %dma_start3A_236 = arith.constant 0 : i32
    %dma_start3A_237 = tpu.memref_slice %arg4[%add3A_233, %dma_start3A_236] : memref<204800x128xf32, #tpu.memory_space<hbm>> -> memref<200x128xf32, #tpu.memory_space<hbm>>
    tpu.enqueue_dma source(%arg10 : memref<200x128xf32, #tpu.memory_space<vmem>>) target(%dma_start3A_237 : memref<200x128xf32, #tpu.memory_space<hbm>>) target_semaphore(%arg18 : memref<!tpu.dma_semaphore, #tpu.memory_space<semaphore_mem>>)
    %dma_wait3A_238 = arith.constant 0 : i32
    %dma_wait3A_239 = tpu.memref_slice %arg4[%add3A_233, %dma_wait3A_238] : memref<204800x128xf32, #tpu.memory_space<hbm>> -> memref<200x128xf32, #tpu.memory_space<hbm>>
    %dma_wait3A_240 = arith.constant 0 : i32
    %dma_wait3A_241 = tpu.memref_slice %arg4[%add3A_233, %dma_wait3A_240] : memref<204800x128xf32, #tpu.memory_space<hbm>> -> memref<200x128xf32, #tpu.memory_space<hbm>>
    tpu.wait_dma2 semaphore(%arg18 : memref<!tpu.dma_semaphore, #tpu.memory_space<semaphore_mem>>) src(%arg10 : memref<200x128xf32, #tpu.memory_space<vmem>>) dst(%dma_wait3A_241 : memref<200x128xf32, #tpu.memory_space<hbm>>)
    %dma_start3A_242 = arith.constant 2800 : i32
    %dma_start3A_243 = tpu.memref_slice %arg6[%dma_start3A_242] : memref<6400xi32, #tpu.memory_space<vmem>> -> memref<200xi32, #tpu.memory_space<vmem>>
    %dma_start3A_244 = arith.constant 0 : i32
    %dma_start3A_245 = arith.constant 0 : i32
    %dma_start3A_246 = tpu.memref_slice %arg2[%dma_start3A_244, %dma_start3A_245] : memref<100002x128xf32, #tpu.memory_space<hbm>> -> memref<100002x128xf32, #tpu.memory_space<hbm>>
    tpu.enqueue_indirect_dma source(%dma_start3A_246 : memref<100002x128xf32, #tpu.memory_space<hbm>>) target(%arg10 : memref<200x128xf32, #tpu.memory_space<vmem>>) offsets(%dma_start3A_243 : memref<200xi32, #tpu.memory_space<vmem>>) semaphore(%arg14 : memref<!tpu.dma_semaphore, #tpu.memory_space<semaphore_mem>>)
    %dma_wait3A_247 = arith.constant 2200 : i32
    %dma_wait3A_248 = tpu.memref_slice %arg6[%dma_wait3A_247] : memref<6400xi32, #tpu.memory_space<vmem>> -> memref<200xi32, #tpu.memory_space<vmem>>
    %dma_wait3A_249 = arith.constant 0 : i32
    %dma_wait3A_250 = arith.constant 0 : i32
    %dma_wait3A_251 = tpu.memref_slice %arg2[%dma_wait3A_249, %dma_wait3A_250] : memref<100002x128xf32, #tpu.memory_space<hbm>> -> memref<100002x128xf32, #tpu.memory_space<hbm>>
    tpu.wait_indirect_dma semaphore(%arg15 : memref<!tpu.dma_semaphore, #tpu.memory_space<semaphore_mem>>) src(%dma_wait3A_251 : memref<100002x128xf32, #tpu.memory_space<hbm>>) dst(%arg11 : memref<200x128xf32, #tpu.memory_space<vmem>>)
    %add3A_252 = arith.constant 2200 : i32
    %add3A_253 = arith.addi %mul3A_2, %add3A_252 : i32
    %dma_start3A_254 = arith.constant 0 : i32
    %dma_start3A_255 = tpu.memref_slice %arg4[%add3A_253, %dma_start3A_254] : memref<204800x128xf32, #tpu.memory_space<hbm>> -> memref<200x128xf32, #tpu.memory_space<hbm>>
    %dma_start3A_256 = arith.constant 0 : i32
    %dma_start3A_257 = tpu.memref_slice %arg4[%add3A_253, %dma_start3A_256] : memref<204800x128xf32, #tpu.memory_space<hbm>> -> memref<200x128xf32, #tpu.memory_space<hbm>>
    tpu.enqueue_dma source(%arg11 : memref<200x128xf32, #tpu.memory_space<vmem>>) target(%dma_start3A_257 : memref<200x128xf32, #tpu.memory_space<hbm>>) target_semaphore(%arg19 : memref<!tpu.dma_semaphore, #tpu.memory_space<semaphore_mem>>)
    %dma_wait3A_258 = arith.constant 0 : i32
    %dma_wait3A_259 = tpu.memref_slice %arg4[%add3A_253, %dma_wait3A_258] : memref<204800x128xf32, #tpu.memory_space<hbm>> -> memref<200x128xf32, #tpu.memory_space<hbm>>
    %dma_wait3A_260 = arith.constant 0 : i32
    %dma_wait3A_261 = tpu.memref_slice %arg4[%add3A_253, %dma_wait3A_260] : memref<204800x128xf32, #tpu.memory_space<hbm>> -> memref<200x128xf32, #tpu.memory_space<hbm>>
    tpu.wait_dma2 semaphore(%arg19 : memref<!tpu.dma_semaphore, #tpu.memory_space<semaphore_mem>>) src(%arg11 : memref<200x128xf32, #tpu.memory_space<vmem>>) dst(%dma_wait3A_261 : memref<200x128xf32, #tpu.memory_space<hbm>>)
    %dma_start3A_262 = arith.constant 3000 : i32
    %dma_start3A_263 = tpu.memref_slice %arg6[%dma_start3A_262] : memref<6400xi32, #tpu.memory_space<vmem>> -> memref<200xi32, #tpu.memory_space<vmem>>
    %dma_start3A_264 = arith.constant 0 : i32
    %dma_start3A_265 = arith.constant 0 : i32
    %dma_start3A_266 = tpu.memref_slice %arg2[%dma_start3A_264, %dma_start3A_265] : memref<100002x128xf32, #tpu.memory_space<hbm>> -> memref<100002x128xf32, #tpu.memory_space<hbm>>
    tpu.enqueue_indirect_dma source(%dma_start3A_266 : memref<100002x128xf32, #tpu.memory_space<hbm>>) target(%arg11 : memref<200x128xf32, #tpu.memory_space<vmem>>) offsets(%dma_start3A_263 : memref<200xi32, #tpu.memory_space<vmem>>) semaphore(%arg15 : memref<!tpu.dma_semaphore, #tpu.memory_space<semaphore_mem>>)
    %dma_wait3A_267 = arith.constant 2400 : i32
    %dma_wait3A_268 = tpu.memref_slice %arg6[%dma_wait3A_267] : memref<6400xi32, #tpu.memory_space<vmem>> -> memref<200xi32, #tpu.memory_space<vmem>>
    %dma_wait3A_269 = arith.constant 0 : i32
    %dma_wait3A_270 = arith.constant 0 : i32
    %dma_wait3A_271 = tpu.memref_slice %arg2[%dma_wait3A_269, %dma_wait3A_270] : memref<100002x128xf32, #tpu.memory_space<hbm>> -> memref<100002x128xf32, #tpu.memory_space<hbm>>
    tpu.wait_indirect_dma semaphore(%arg12 : memref<!tpu.dma_semaphore, #tpu.memory_space<semaphore_mem>>) src(%dma_wait3A_271 : memref<100002x128xf32, #tpu.memory_space<hbm>>) dst(%arg8 : memref<200x128xf32, #tpu.memory_space<vmem>>)
    %add3A_272 = arith.constant 2400 : i32
    %add3A_273 = arith.addi %mul3A_2, %add3A_272 : i32
    %dma_start3A_274 = arith.constant 0 : i32
    %dma_start3A_275 = tpu.memref_slice %arg4[%add3A_273, %dma_start3A_274] : memref<204800x128xf32, #tpu.memory_space<hbm>> -> memref<200x128xf32, #tpu.memory_space<hbm>>
    %dma_start3A_276 = arith.constant 0 : i32
    %dma_start3A_277 = tpu.memref_slice %arg4[%add3A_273, %dma_start3A_276] : memref<204800x128xf32, #tpu.memory_space<hbm>> -> memref<200x128xf32, #tpu.memory_space<hbm>>
    tpu.enqueue_dma source(%arg8 : memref<200x128xf32, #tpu.memory_space<vmem>>) target(%dma_start3A_277 : memref<200x128xf32, #tpu.memory_space<hbm>>) target_semaphore(%arg16 : memref<!tpu.dma_semaphore, #tpu.memory_space<semaphore_mem>>)
    %dma_wait3A_278 = arith.constant 0 : i32
    %dma_wait3A_279 = tpu.memref_slice %arg4[%add3A_273, %dma_wait3A_278] : memref<204800x128xf32, #tpu.memory_space<hbm>> -> memref<200x128xf32, #tpu.memory_space<hbm>>
    %dma_wait3A_280 = arith.constant 0 : i32
    %dma_wait3A_281 = tpu.memref_slice %arg4[%add3A_273, %dma_wait3A_280] : memref<204800x128xf32, #tpu.memory_space<hbm>> -> memref<200x128xf32, #tpu.memory_space<hbm>>
    tpu.wait_dma2 semaphore(%arg16 : memref<!tpu.dma_semaphore, #tpu.memory_space<semaphore_mem>>) src(%arg8 : memref<200x128xf32, #tpu.memory_space<vmem>>) dst(%dma_wait3A_281 : memref<200x128xf32, #tpu.memory_space<hbm>>)
    %dma_start3A_282 = arith.constant 3200 : i32
    %dma_start3A_283 = tpu.memref_slice %arg6[%dma_start3A_282] : memref<6400xi32, #tpu.memory_space<vmem>> -> memref<200xi32, #tpu.memory_space<vmem>>
    %dma_start3A_284 = arith.constant 0 : i32
    %dma_start3A_285 = arith.constant 0 : i32
    %dma_start3A_286 = tpu.memref_slice %arg2[%dma_start3A_284, %dma_start3A_285] : memref<100002x128xf32, #tpu.memory_space<hbm>> -> memref<100002x128xf32, #tpu.memory_space<hbm>>
    tpu.enqueue_indirect_dma source(%dma_start3A_286 : memref<100002x128xf32, #tpu.memory_space<hbm>>) target(%arg8 : memref<200x128xf32, #tpu.memory_space<vmem>>) offsets(%dma_start3A_283 : memref<200xi32, #tpu.memory_space<vmem>>) semaphore(%arg12 : memref<!tpu.dma_semaphore, #tpu.memory_space<semaphore_mem>>)
    %dma_wait3A_287 = arith.constant 2600 : i32
    %dma_wait3A_288 = tpu.memref_slice %arg6[%dma_wait3A_287] : memref<6400xi32, #tpu.memory_space<vmem>> -> memref<200xi32, #tpu.memory_space<vmem>>
    %dma_wait3A_289 = arith.constant 0 : i32
    %dma_wait3A_290 = arith.constant 0 : i32
    %dma_wait3A_291 = tpu.memref_slice %arg2[%dma_wait3A_289, %dma_wait3A_290] : memref<100002x128xf32, #tpu.memory_space<hbm>> -> memref<100002x128xf32, #tpu.memory_space<hbm>>
    tpu.wait_indirect_dma semaphore(%arg13 : memref<!tpu.dma_semaphore, #tpu.memory_space<semaphore_mem>>) src(%dma_wait3A_291 : memref<100002x128xf32, #tpu.memory_space<hbm>>) dst(%arg9 : memref<200x128xf32, #tpu.memory_space<vmem>>)
    %add3A_292 = arith.constant 2600 : i32
    %add3A_293 = arith.addi %mul3A_2, %add3A_292 : i32
    %dma_start3A_294 = arith.constant 0 : i32
    %dma_start3A_295 = tpu.memref_slice %arg4[%add3A_293, %dma_start3A_294] : memref<204800x128xf32, #tpu.memory_space<hbm>> -> memref<200x128xf32, #tpu.memory_space<hbm>>
    %dma_start3A_296 = arith.constant 0 : i32
    %dma_start3A_297 = tpu.memref_slice %arg4[%add3A_293, %dma_start3A_296] : memref<204800x128xf32, #tpu.memory_space<hbm>> -> memref<200x128xf32, #tpu.memory_space<hbm>>
    tpu.enqueue_dma source(%arg9 : memref<200x128xf32, #tpu.memory_space<vmem>>) target(%dma_start3A_297 : memref<200x128xf32, #tpu.memory_space<hbm>>) target_semaphore(%arg17 : memref<!tpu.dma_semaphore, #tpu.memory_space<semaphore_mem>>)
    %dma_wait3A_298 = arith.constant 0 : i32
    %dma_wait3A_299 = tpu.memref_slice %arg4[%add3A_293, %dma_wait3A_298] : memref<204800x128xf32, #tpu.memory_space<hbm>> -> memref<200x128xf32, #tpu.memory_space<hbm>>
    %dma_wait3A_300 = arith.constant 0 : i32
    %dma_wait3A_301 = tpu.memref_slice %arg4[%add3A_293, %dma_wait3A_300] : memref<204800x128xf32, #tpu.memory_space<hbm>> -> memref<200x128xf32, #tpu.memory_space<hbm>>
    tpu.wait_dma2 semaphore(%arg17 : memref<!tpu.dma_semaphore, #tpu.memory_space<semaphore_mem>>) src(%arg9 : memref<200x128xf32, #tpu.memory_space<vmem>>) dst(%dma_wait3A_301 : memref<200x128xf32, #tpu.memory_space<hbm>>)
    %dma_start3A_302 = arith.constant 3400 : i32
    %dma_start3A_303 = tpu.memref_slice %arg6[%dma_start3A_302] : memref<6400xi32, #tpu.memory_space<vmem>> -> memref<200xi32, #tpu.memory_space<vmem>>
    %dma_start3A_304 = arith.constant 0 : i32
    %dma_start3A_305 = arith.constant 0 : i32
    %dma_start3A_306 = tpu.memref_slice %arg2[%dma_start3A_304, %dma_start3A_305] : memref<100002x128xf32, #tpu.memory_space<hbm>> -> memref<100002x128xf32, #tpu.memory_space<hbm>>
    tpu.enqueue_indirect_dma source(%dma_start3A_306 : memref<100002x128xf32, #tpu.memory_space<hbm>>) target(%arg9 : memref<200x128xf32, #tpu.memory_space<vmem>>) offsets(%dma_start3A_303 : memref<200xi32, #tpu.memory_space<vmem>>) semaphore(%arg13 : memref<!tpu.dma_semaphore, #tpu.memory_space<semaphore_mem>>)
    %dma_wait3A_307 = arith.constant 2800 : i32
    %dma_wait3A_308 = tpu.memref_slice %arg6[%dma_wait3A_307] : memref<6400xi32, #tpu.memory_space<vmem>> -> memref<200xi32, #tpu.memory_space<vmem>>
    %dma_wait3A_309 = arith.constant 0 : i32
    %dma_wait3A_310 = arith.constant 0 : i32
    %dma_wait3A_311 = tpu.memref_slice %arg2[%dma_wait3A_309, %dma_wait3A_310] : memref<100002x128xf32, #tpu.memory_space<hbm>> -> memref<100002x128xf32, #tpu.memory_space<hbm>>
    tpu.wait_indirect_dma semaphore(%arg14 : memref<!tpu.dma_semaphore, #tpu.memory_space<semaphore_mem>>) src(%dma_wait3A_311 : memref<100002x128xf32, #tpu.memory_space<hbm>>) dst(%arg10 : memref<200x128xf32, #tpu.memory_space<vmem>>)
    %add3A_312 = arith.constant 2800 : i32
    %add3A_313 = arith.addi %mul3A_2, %add3A_312 : i32
    %dma_start3A_314 = arith.constant 0 : i32
    %dma_start3A_315 = tpu.memref_slice %arg4[%add3A_313, %dma_start3A_314] : memref<204800x128xf32, #tpu.memory_space<hbm>> -> memref<200x128xf32, #tpu.memory_space<hbm>>
    %dma_start3A_316 = arith.constant 0 : i32
    %dma_start3A_317 = tpu.memref_slice %arg4[%add3A_313, %dma_start3A_316] : memref<204800x128xf32, #tpu.memory_space<hbm>> -> memref<200x128xf32, #tpu.memory_space<hbm>>
    tpu.enqueue_dma source(%arg10 : memref<200x128xf32, #tpu.memory_space<vmem>>) target(%dma_start3A_317 : memref<200x128xf32, #tpu.memory_space<hbm>>) target_semaphore(%arg18 : memref<!tpu.dma_semaphore, #tpu.memory_space<semaphore_mem>>)
    %dma_wait3A_318 = arith.constant 0 : i32
    %dma_wait3A_319 = tpu.memref_slice %arg4[%add3A_313, %dma_wait3A_318] : memref<204800x128xf32, #tpu.memory_space<hbm>> -> memref<200x128xf32, #tpu.memory_space<hbm>>
    %dma_wait3A_320 = arith.constant 0 : i32
    %dma_wait3A_321 = tpu.memref_slice %arg4[%add3A_313, %dma_wait3A_320] : memref<204800x128xf32, #tpu.memory_space<hbm>> -> memref<200x128xf32, #tpu.memory_space<hbm>>
    tpu.wait_dma2 semaphore(%arg18 : memref<!tpu.dma_semaphore, #tpu.memory_space<semaphore_mem>>) src(%arg10 : memref<200x128xf32, #tpu.memory_space<vmem>>) dst(%dma_wait3A_321 : memref<200x128xf32, #tpu.memory_space<hbm>>)
    %dma_start3A_322 = arith.constant 3600 : i32
    %dma_start3A_323 = tpu.memref_slice %arg6[%dma_start3A_322] : memref<6400xi32, #tpu.memory_space<vmem>> -> memref<200xi32, #tpu.memory_space<vmem>>
    %dma_start3A_324 = arith.constant 0 : i32
    %dma_start3A_325 = arith.constant 0 : i32
    %dma_start3A_326 = tpu.memref_slice %arg2[%dma_start3A_324, %dma_start3A_325] : memref<100002x128xf32, #tpu.memory_space<hbm>> -> memref<100002x128xf32, #tpu.memory_space<hbm>>
    tpu.enqueue_indirect_dma source(%dma_start3A_326 : memref<100002x128xf32, #tpu.memory_space<hbm>>) target(%arg10 : memref<200x128xf32, #tpu.memory_space<vmem>>) offsets(%dma_start3A_323 : memref<200xi32, #tpu.memory_space<vmem>>) semaphore(%arg14 : memref<!tpu.dma_semaphore, #tpu.memory_space<semaphore_mem>>)
    %dma_wait3A_327 = arith.constant 3000 : i32
    %dma_wait3A_328 = tpu.memref_slice %arg6[%dma_wait3A_327] : memref<6400xi32, #tpu.memory_space<vmem>> -> memref<200xi32, #tpu.memory_space<vmem>>
    %dma_wait3A_329 = arith.constant 0 : i32
    %dma_wait3A_330 = arith.constant 0 : i32
    %dma_wait3A_331 = tpu.memref_slice %arg2[%dma_wait3A_329, %dma_wait3A_330] : memref<100002x128xf32, #tpu.memory_space<hbm>> -> memref<100002x128xf32, #tpu.memory_space<hbm>>
    tpu.wait_indirect_dma semaphore(%arg15 : memref<!tpu.dma_semaphore, #tpu.memory_space<semaphore_mem>>) src(%dma_wait3A_331 : memref<100002x128xf32, #tpu.memory_space<hbm>>) dst(%arg11 : memref<200x128xf32, #tpu.memory_space<vmem>>)
    %add3A_332 = arith.constant 3000 : i32
    %add3A_333 = arith.addi %mul3A_2, %add3A_332 : i32
    %dma_start3A_334 = arith.constant 0 : i32
    %dma_start3A_335 = tpu.memref_slice %arg4[%add3A_333, %dma_start3A_334] : memref<204800x128xf32, #tpu.memory_space<hbm>> -> memref<200x128xf32, #tpu.memory_space<hbm>>
    %dma_start3A_336 = arith.constant 0 : i32
    %dma_start3A_337 = tpu.memref_slice %arg4[%add3A_333, %dma_start3A_336] : memref<204800x128xf32, #tpu.memory_space<hbm>> -> memref<200x128xf32, #tpu.memory_space<hbm>>
    tpu.enqueue_dma source(%arg11 : memref<200x128xf32, #tpu.memory_space<vmem>>) target(%dma_start3A_337 : memref<200x128xf32, #tpu.memory_space<hbm>>) target_semaphore(%arg19 : memref<!tpu.dma_semaphore, #tpu.memory_space<semaphore_mem>>)
    %dma_wait3A_338 = arith.constant 0 : i32
    %dma_wait3A_339 = tpu.memref_slice %arg4[%add3A_333, %dma_wait3A_338] : memref<204800x128xf32, #tpu.memory_space<hbm>> -> memref<200x128xf32, #tpu.memory_space<hbm>>
    %dma_wait3A_340 = arith.constant 0 : i32
    %dma_wait3A_341 = tpu.memref_slice %arg4[%add3A_333, %dma_wait3A_340] : memref<204800x128xf32, #tpu.memory_space<hbm>> -> memref<200x128xf32, #tpu.memory_space<hbm>>
    tpu.wait_dma2 semaphore(%arg19 : memref<!tpu.dma_semaphore, #tpu.memory_space<semaphore_mem>>) src(%arg11 : memref<200x128xf32, #tpu.memory_space<vmem>>) dst(%dma_wait3A_341 : memref<200x128xf32, #tpu.memory_space<hbm>>)
    %dma_start3A_342 = arith.constant 3800 : i32
    %dma_start3A_343 = tpu.memref_slice %arg6[%dma_start3A_342] : memref<6400xi32, #tpu.memory_space<vmem>> -> memref<200xi32, #tpu.memory_space<vmem>>
    %dma_start3A_344 = arith.constant 0 : i32
    %dma_start3A_345 = arith.constant 0 : i32
    %dma_start3A_346 = tpu.memref_slice %arg2[%dma_start3A_344, %dma_start3A_345] : memref<100002x128xf32, #tpu.memory_space<hbm>> -> memref<100002x128xf32, #tpu.memory_space<hbm>>
    tpu.enqueue_indirect_dma source(%dma_start3A_346 : memref<100002x128xf32, #tpu.memory_space<hbm>>) target(%arg11 : memref<200x128xf32, #tpu.memory_space<vmem>>) offsets(%dma_start3A_343 : memref<200xi32, #tpu.memory_space<vmem>>) semaphore(%arg15 : memref<!tpu.dma_semaphore, #tpu.memory_space<semaphore_mem>>)
    %dma_wait3A_347 = arith.constant 3200 : i32
    %dma_wait3A_348 = tpu.memref_slice %arg6[%dma_wait3A_347] : memref<6400xi32, #tpu.memory_space<vmem>> -> memref<200xi32, #tpu.memory_space<vmem>>
    %dma_wait3A_349 = arith.constant 0 : i32
    %dma_wait3A_350 = arith.constant 0 : i32
    %dma_wait3A_351 = tpu.memref_slice %arg2[%dma_wait3A_349, %dma_wait3A_350] : memref<100002x128xf32, #tpu.memory_space<hbm>> -> memref<100002x128xf32, #tpu.memory_space<hbm>>
    tpu.wait_indirect_dma semaphore(%arg12 : memref<!tpu.dma_semaphore, #tpu.memory_space<semaphore_mem>>) src(%dma_wait3A_351 : memref<100002x128xf32, #tpu.memory_space<hbm>>) dst(%arg8 : memref<200x128xf32, #tpu.memory_space<vmem>>)
    %add3A_352 = arith.constant 3200 : i32
    %add3A_353 = arith.addi %mul3A_2, %add3A_352 : i32
    %dma_start3A_354 = arith.constant 0 : i32
    %dma_start3A_355 = tpu.memref_slice %arg4[%add3A_353, %dma_start3A_354] : memref<204800x128xf32, #tpu.memory_space<hbm>> -> memref<200x128xf32, #tpu.memory_space<hbm>>
    %dma_start3A_356 = arith.constant 0 : i32
    %dma_start3A_357 = tpu.memref_slice %arg4[%add3A_353, %dma_start3A_356] : memref<204800x128xf32, #tpu.memory_space<hbm>> -> memref<200x128xf32, #tpu.memory_space<hbm>>
    tpu.enqueue_dma source(%arg8 : memref<200x128xf32, #tpu.memory_space<vmem>>) target(%dma_start3A_357 : memref<200x128xf32, #tpu.memory_space<hbm>>) target_semaphore(%arg16 : memref<!tpu.dma_semaphore, #tpu.memory_space<semaphore_mem>>)
    %dma_wait3A_358 = arith.constant 0 : i32
    %dma_wait3A_359 = tpu.memref_slice %arg4[%add3A_353, %dma_wait3A_358] : memref<204800x128xf32, #tpu.memory_space<hbm>> -> memref<200x128xf32, #tpu.memory_space<hbm>>
    %dma_wait3A_360 = arith.constant 0 : i32
    %dma_wait3A_361 = tpu.memref_slice %arg4[%add3A_353, %dma_wait3A_360] : memref<204800x128xf32, #tpu.memory_space<hbm>> -> memref<200x128xf32, #tpu.memory_space<hbm>>
    tpu.wait_dma2 semaphore(%arg16 : memref<!tpu.dma_semaphore, #tpu.memory_space<semaphore_mem>>) src(%arg8 : memref<200x128xf32, #tpu.memory_space<vmem>>) dst(%dma_wait3A_361 : memref<200x128xf32, #tpu.memory_space<hbm>>)
    %dma_start3A_362 = arith.constant 4000 : i32
    %dma_start3A_363 = tpu.memref_slice %arg6[%dma_start3A_362] : memref<6400xi32, #tpu.memory_space<vmem>> -> memref<200xi32, #tpu.memory_space<vmem>>
    %dma_start3A_364 = arith.constant 0 : i32
    %dma_start3A_365 = arith.constant 0 : i32
    %dma_start3A_366 = tpu.memref_slice %arg2[%dma_start3A_364, %dma_start3A_365] : memref<100002x128xf32, #tpu.memory_space<hbm>> -> memref<100002x128xf32, #tpu.memory_space<hbm>>
    tpu.enqueue_indirect_dma source(%dma_start3A_366 : memref<100002x128xf32, #tpu.memory_space<hbm>>) target(%arg8 : memref<200x128xf32, #tpu.memory_space<vmem>>) offsets(%dma_start3A_363 : memref<200xi32, #tpu.memory_space<vmem>>) semaphore(%arg12 : memref<!tpu.dma_semaphore, #tpu.memory_space<semaphore_mem>>)
    %dma_wait3A_367 = arith.constant 3400 : i32
    %dma_wait3A_368 = tpu.memref_slice %arg6[%dma_wait3A_367] : memref<6400xi32, #tpu.memory_space<vmem>> -> memref<200xi32, #tpu.memory_space<vmem>>
    %dma_wait3A_369 = arith.constant 0 : i32
    %dma_wait3A_370 = arith.constant 0 : i32
    %dma_wait3A_371 = tpu.memref_slice %arg2[%dma_wait3A_369, %dma_wait3A_370] : memref<100002x128xf32, #tpu.memory_space<hbm>> -> memref<100002x128xf32, #tpu.memory_space<hbm>>
    tpu.wait_indirect_dma semaphore(%arg13 : memref<!tpu.dma_semaphore, #tpu.memory_space<semaphore_mem>>) src(%dma_wait3A_371 : memref<100002x128xf32, #tpu.memory_space<hbm>>) dst(%arg9 : memref<200x128xf32, #tpu.memory_space<vmem>>)
    %add3A_372 = arith.constant 3400 : i32
    %add3A_373 = arith.addi %mul3A_2, %add3A_372 : i32
    %dma_start3A_374 = arith.constant 0 : i32
    %dma_start3A_375 = tpu.memref_slice %arg4[%add3A_373, %dma_start3A_374] : memref<204800x128xf32, #tpu.memory_space<hbm>> -> memref<200x128xf32, #tpu.memory_space<hbm>>
    %dma_start3A_376 = arith.constant 0 : i32
    %dma_start3A_377 = tpu.memref_slice %arg4[%add3A_373, %dma_start3A_376] : memref<204800x128xf32, #tpu.memory_space<hbm>> -> memref<200x128xf32, #tpu.memory_space<hbm>>
    tpu.enqueue_dma source(%arg9 : memref<200x128xf32, #tpu.memory_space<vmem>>) target(%dma_start3A_377 : memref<200x128xf32, #tpu.memory_space<hbm>>) target_semaphore(%arg17 : memref<!tpu.dma_semaphore, #tpu.memory_space<semaphore_mem>>)
    %dma_wait3A_378 = arith.constant 0 : i32
    %dma_wait3A_379 = tpu.memref_slice %arg4[%add3A_373, %dma_wait3A_378] : memref<204800x128xf32, #tpu.memory_space<hbm>> -> memref<200x128xf32, #tpu.memory_space<hbm>>
    %dma_wait3A_380 = arith.constant 0 : i32
    %dma_wait3A_381 = tpu.memref_slice %arg4[%add3A_373, %dma_wait3A_380] : memref<204800x128xf32, #tpu.memory_space<hbm>> -> memref<200x128xf32, #tpu.memory_space<hbm>>
    tpu.wait_dma2 semaphore(%arg17 : memref<!tpu.dma_semaphore, #tpu.memory_space<semaphore_mem>>) src(%arg9 : memref<200x128xf32, #tpu.memory_space<vmem>>) dst(%dma_wait3A_381 : memref<200x128xf32, #tpu.memory_space<hbm>>)
    %dma_start3A_382 = arith.constant 4200 : i32
    %dma_start3A_383 = tpu.memref_slice %arg6[%dma_start3A_382] : memref<6400xi32, #tpu.memory_space<vmem>> -> memref<200xi32, #tpu.memory_space<vmem>>
    %dma_start3A_384 = arith.constant 0 : i32
    %dma_start3A_385 = arith.constant 0 : i32
    %dma_start3A_386 = tpu.memref_slice %arg2[%dma_start3A_384, %dma_start3A_385] : memref<100002x128xf32, #tpu.memory_space<hbm>> -> memref<100002x128xf32, #tpu.memory_space<hbm>>
    tpu.enqueue_indirect_dma source(%dma_start3A_386 : memref<100002x128xf32, #tpu.memory_space<hbm>>) target(%arg9 : memref<200x128xf32, #tpu.memory_space<vmem>>) offsets(%dma_start3A_383 : memref<200xi32, #tpu.memory_space<vmem>>) semaphore(%arg13 : memref<!tpu.dma_semaphore, #tpu.memory_space<semaphore_mem>>)
    %dma_wait3A_387 = arith.constant 3600 : i32
    %dma_wait3A_388 = tpu.memref_slice %arg6[%dma_wait3A_387] : memref<6400xi32, #tpu.memory_space<vmem>> -> memref<200xi32, #tpu.memory_space<vmem>>
    %dma_wait3A_389 = arith.constant 0 : i32
    %dma_wait3A_390 = arith.constant 0 : i32
    %dma_wait3A_391 = tpu.memref_slice %arg2[%dma_wait3A_389, %dma_wait3A_390] : memref<100002x128xf32, #tpu.memory_space<hbm>> -> memref<100002x128xf32, #tpu.memory_space<hbm>>
    tpu.wait_indirect_dma semaphore(%arg14 : memref<!tpu.dma_semaphore, #tpu.memory_space<semaphore_mem>>) src(%dma_wait3A_391 : memref<100002x128xf32, #tpu.memory_space<hbm>>) dst(%arg10 : memref<200x128xf32, #tpu.memory_space<vmem>>)
    %add3A_392 = arith.constant 3600 : i32
    %add3A_393 = arith.addi %mul3A_2, %add3A_392 : i32
    %dma_start3A_394 = arith.constant 0 : i32
    %dma_start3A_395 = tpu.memref_slice %arg4[%add3A_393, %dma_start3A_394] : memref<204800x128xf32, #tpu.memory_space<hbm>> -> memref<200x128xf32, #tpu.memory_space<hbm>>
    %dma_start3A_396 = arith.constant 0 : i32
    %dma_start3A_397 = tpu.memref_slice %arg4[%add3A_393, %dma_start3A_396] : memref<204800x128xf32, #tpu.memory_space<hbm>> -> memref<200x128xf32, #tpu.memory_space<hbm>>
    tpu.enqueue_dma source(%arg10 : memref<200x128xf32, #tpu.memory_space<vmem>>) target(%dma_start3A_397 : memref<200x128xf32, #tpu.memory_space<hbm>>) target_semaphore(%arg18 : memref<!tpu.dma_semaphore, #tpu.memory_space<semaphore_mem>>)
    %dma_wait3A_398 = arith.constant 0 : i32
    %dma_wait3A_399 = tpu.memref_slice %arg4[%add3A_393, %dma_wait3A_398] : memref<204800x128xf32, #tpu.memory_space<hbm>> -> memref<200x128xf32, #tpu.memory_space<hbm>>
    %dma_wait3A_400 = arith.constant 0 : i32
    %dma_wait3A_401 = tpu.memref_slice %arg4[%add3A_393, %dma_wait3A_400] : memref<204800x128xf32, #tpu.memory_space<hbm>> -> memref<200x128xf32, #tpu.memory_space<hbm>>
    tpu.wait_dma2 semaphore(%arg18 : memref<!tpu.dma_semaphore, #tpu.memory_space<semaphore_mem>>) src(%arg10 : memref<200x128xf32, #tpu.memory_space<vmem>>) dst(%dma_wait3A_401 : memref<200x128xf32, #tpu.memory_space<hbm>>)
    %dma_start3A_402 = arith.constant 4400 : i32
    %dma_start3A_403 = tpu.memref_slice %arg6[%dma_start3A_402] : memref<6400xi32, #tpu.memory_space<vmem>> -> memref<200xi32, #tpu.memory_space<vmem>>
    %dma_start3A_404 = arith.constant 0 : i32
    %dma_start3A_405 = arith.constant 0 : i32
    %dma_start3A_406 = tpu.memref_slice %arg2[%dma_start3A_404, %dma_start3A_405] : memref<100002x128xf32, #tpu.memory_space<hbm>> -> memref<100002x128xf32, #tpu.memory_space<hbm>>
    tpu.enqueue_indirect_dma source(%dma_start3A_406 : memref<100002x128xf32, #tpu.memory_space<hbm>>) target(%arg10 : memref<200x128xf32, #tpu.memory_space<vmem>>) offsets(%dma_start3A_403 : memref<200xi32, #tpu.memory_space<vmem>>) semaphore(%arg14 : memref<!tpu.dma_semaphore, #tpu.memory_space<semaphore_mem>>)
    %dma_wait3A_407 = arith.constant 3800 : i32
    %dma_wait3A_408 = tpu.memref_slice %arg6[%dma_wait3A_407] : memref<6400xi32, #tpu.memory_space<vmem>> -> memref<200xi32, #tpu.memory_space<vmem>>
    %dma_wait3A_409 = arith.constant 0 : i32
    %dma_wait3A_410 = arith.constant 0 : i32
    %dma_wait3A_411 = tpu.memref_slice %arg2[%dma_wait3A_409, %dma_wait3A_410] : memref<100002x128xf32, #tpu.memory_space<hbm>> -> memref<100002x128xf32, #tpu.memory_space<hbm>>
    tpu.wait_indirect_dma semaphore(%arg15 : memref<!tpu.dma_semaphore, #tpu.memory_space<semaphore_mem>>) src(%dma_wait3A_411 : memref<100002x128xf32, #tpu.memory_space<hbm>>) dst(%arg11 : memref<200x128xf32, #tpu.memory_space<vmem>>)
    %add3A_412 = arith.constant 3800 : i32
    %add3A_413 = arith.addi %mul3A_2, %add3A_412 : i32
    %dma_start3A_414 = arith.constant 0 : i32
    %dma_start3A_415 = tpu.memref_slice %arg4[%add3A_413, %dma_start3A_414] : memref<204800x128xf32, #tpu.memory_space<hbm>> -> memref<200x128xf32, #tpu.memory_space<hbm>>
    %dma_start3A_416 = arith.constant 0 : i32
    %dma_start3A_417 = tpu.memref_slice %arg4[%add3A_413, %dma_start3A_416] : memref<204800x128xf32, #tpu.memory_space<hbm>> -> memref<200x128xf32, #tpu.memory_space<hbm>>
    tpu.enqueue_dma source(%arg11 : memref<200x128xf32, #tpu.memory_space<vmem>>) target(%dma_start3A_417 : memref<200x128xf32, #tpu.memory_space<hbm>>) target_semaphore(%arg19 : memref<!tpu.dma_semaphore, #tpu.memory_space<semaphore_mem>>)
    %dma_wait3A_418 = arith.constant 0 : i32
    %dma_wait3A_419 = tpu.memref_slice %arg4[%add3A_413, %dma_wait3A_418] : memref<204800x128xf32, #tpu.memory_space<hbm>> -> memref<200x128xf32, #tpu.memory_space<hbm>>
    %dma_wait3A_420 = arith.constant 0 : i32
    %dma_wait3A_421 = tpu.memref_slice %arg4[%add3A_413, %dma_wait3A_420] : memref<204800x128xf32, #tpu.memory_space<hbm>> -> memref<200x128xf32, #tpu.memory_space<hbm>>
    tpu.wait_dma2 semaphore(%arg19 : memref<!tpu.dma_semaphore, #tpu.memory_space<semaphore_mem>>) src(%arg11 : memref<200x128xf32, #tpu.memory_space<vmem>>) dst(%dma_wait3A_421 : memref<200x128xf32, #tpu.memory_space<hbm>>)
    %dma_start3A_422 = arith.constant 4600 : i32
    %dma_start3A_423 = tpu.memref_slice %arg6[%dma_start3A_422] : memref<6400xi32, #tpu.memory_space<vmem>> -> memref<200xi32, #tpu.memory_space<vmem>>
    %dma_start3A_424 = arith.constant 0 : i32
    %dma_start3A_425 = arith.constant 0 : i32
    %dma_start3A_426 = tpu.memref_slice %arg2[%dma_start3A_424, %dma_start3A_425] : memref<100002x128xf32, #tpu.memory_space<hbm>> -> memref<100002x128xf32, #tpu.memory_space<hbm>>
    tpu.enqueue_indirect_dma source(%dma_start3A_426 : memref<100002x128xf32, #tpu.memory_space<hbm>>) target(%arg11 : memref<200x128xf32, #tpu.memory_space<vmem>>) offsets(%dma_start3A_423 : memref<200xi32, #tpu.memory_space<vmem>>) semaphore(%arg15 : memref<!tpu.dma_semaphore, #tpu.memory_space<semaphore_mem>>)
    %dma_wait3A_427 = arith.constant 4000 : i32
    %dma_wait3A_428 = tpu.memref_slice %arg6[%dma_wait3A_427] : memref<6400xi32, #tpu.memory_space<vmem>> -> memref<200xi32, #tpu.memory_space<vmem>>
    %dma_wait3A_429 = arith.constant 0 : i32
    %dma_wait3A_430 = arith.constant 0 : i32
    %dma_wait3A_431 = tpu.memref_slice %arg2[%dma_wait3A_429, %dma_wait3A_430] : memref<100002x128xf32, #tpu.memory_space<hbm>> -> memref<100002x128xf32, #tpu.memory_space<hbm>>
    tpu.wait_indirect_dma semaphore(%arg12 : memref<!tpu.dma_semaphore, #tpu.memory_space<semaphore_mem>>) src(%dma_wait3A_431 : memref<100002x128xf32, #tpu.memory_space<hbm>>) dst(%arg8 : memref<200x128xf32, #tpu.memory_space<vmem>>)
    %add3A_432 = arith.constant 4000 : i32
    %add3A_433 = arith.addi %mul3A_2, %add3A_432 : i32
    %dma_start3A_434 = arith.constant 0 : i32
    %dma_start3A_435 = tpu.memref_slice %arg4[%add3A_433, %dma_start3A_434] : memref<204800x128xf32, #tpu.memory_space<hbm>> -> memref<200x128xf32, #tpu.memory_space<hbm>>
    %dma_start3A_436 = arith.constant 0 : i32
    %dma_start3A_437 = tpu.memref_slice %arg4[%add3A_433, %dma_start3A_436] : memref<204800x128xf32, #tpu.memory_space<hbm>> -> memref<200x128xf32, #tpu.memory_space<hbm>>
    tpu.enqueue_dma source(%arg8 : memref<200x128xf32, #tpu.memory_space<vmem>>) target(%dma_start3A_437 : memref<200x128xf32, #tpu.memory_space<hbm>>) target_semaphore(%arg16 : memref<!tpu.dma_semaphore, #tpu.memory_space<semaphore_mem>>)
    %dma_wait3A_438 = arith.constant 0 : i32
    %dma_wait3A_439 = tpu.memref_slice %arg4[%add3A_433, %dma_wait3A_438] : memref<204800x128xf32, #tpu.memory_space<hbm>> -> memref<200x128xf32, #tpu.memory_space<hbm>>
    %dma_wait3A_440 = arith.constant 0 : i32
    %dma_wait3A_441 = tpu.memref_slice %arg4[%add3A_433, %dma_wait3A_440] : memref<204800x128xf32, #tpu.memory_space<hbm>> -> memref<200x128xf32, #tpu.memory_space<hbm>>
    tpu.wait_dma2 semaphore(%arg16 : memref<!tpu.dma_semaphore, #tpu.memory_space<semaphore_mem>>) src(%arg8 : memref<200x128xf32, #tpu.memory_space<vmem>>) dst(%dma_wait3A_441 : memref<200x128xf32, #tpu.memory_space<hbm>>)
    %dma_start3A_442 = arith.constant 4800 : i32
    %dma_start3A_443 = tpu.memref_slice %arg6[%dma_start3A_442] : memref<6400xi32, #tpu.memory_space<vmem>> -> memref<200xi32, #tpu.memory_space<vmem>>
    %dma_start3A_444 = arith.constant 0 : i32
    %dma_start3A_445 = arith.constant 0 : i32
    %dma_start3A_446 = tpu.memref_slice %arg2[%dma_start3A_444, %dma_start3A_445] : memref<100002x128xf32, #tpu.memory_space<hbm>> -> memref<100002x128xf32, #tpu.memory_space<hbm>>
    tpu.enqueue_indirect_dma source(%dma_start3A_446 : memref<100002x128xf32, #tpu.memory_space<hbm>>) target(%arg8 : memref<200x128xf32, #tpu.memory_space<vmem>>) offsets(%dma_start3A_443 : memref<200xi32, #tpu.memory_space<vmem>>) semaphore(%arg12 : memref<!tpu.dma_semaphore, #tpu.memory_space<semaphore_mem>>)
    %dma_wait3A_447 = arith.constant 4200 : i32
    %dma_wait3A_448 = tpu.memref_slice %arg6[%dma_wait3A_447] : memref<6400xi32, #tpu.memory_space<vmem>> -> memref<200xi32, #tpu.memory_space<vmem>>
    %dma_wait3A_449 = arith.constant 0 : i32
    %dma_wait3A_450 = arith.constant 0 : i32
    %dma_wait3A_451 = tpu.memref_slice %arg2[%dma_wait3A_449, %dma_wait3A_450] : memref<100002x128xf32, #tpu.memory_space<hbm>> -> memref<100002x128xf32, #tpu.memory_space<hbm>>
    tpu.wait_indirect_dma semaphore(%arg13 : memref<!tpu.dma_semaphore, #tpu.memory_space<semaphore_mem>>) src(%dma_wait3A_451 : memref<100002x128xf32, #tpu.memory_space<hbm>>) dst(%arg9 : memref<200x128xf32, #tpu.memory_space<vmem>>)
    %add3A_452 = arith.constant 4200 : i32
    %add3A_453 = arith.addi %mul3A_2, %add3A_452 : i32
    %dma_start3A_454 = arith.constant 0 : i32
    %dma_start3A_455 = tpu.memref_slice %arg4[%add3A_453, %dma_start3A_454] : memref<204800x128xf32, #tpu.memory_space<hbm>> -> memref<200x128xf32, #tpu.memory_space<hbm>>
    %dma_start3A_456 = arith.constant 0 : i32
    %dma_start3A_457 = tpu.memref_slice %arg4[%add3A_453, %dma_start3A_456] : memref<204800x128xf32, #tpu.memory_space<hbm>> -> memref<200x128xf32, #tpu.memory_space<hbm>>
    tpu.enqueue_dma source(%arg9 : memref<200x128xf32, #tpu.memory_space<vmem>>) target(%dma_start3A_457 : memref<200x128xf32, #tpu.memory_space<hbm>>) target_semaphore(%arg17 : memref<!tpu.dma_semaphore, #tpu.memory_space<semaphore_mem>>)
    %dma_wait3A_458 = arith.constant 0 : i32
    %dma_wait3A_459 = tpu.memref_slice %arg4[%add3A_453, %dma_wait3A_458] : memref<204800x128xf32, #tpu.memory_space<hbm>> -> memref<200x128xf32, #tpu.memory_space<hbm>>
    %dma_wait3A_460 = arith.constant 0 : i32
    %dma_wait3A_461 = tpu.memref_slice %arg4[%add3A_453, %dma_wait3A_460] : memref<204800x128xf32, #tpu.memory_space<hbm>> -> memref<200x128xf32, #tpu.memory_space<hbm>>
    tpu.wait_dma2 semaphore(%arg17 : memref<!tpu.dma_semaphore, #tpu.memory_space<semaphore_mem>>) src(%arg9 : memref<200x128xf32, #tpu.memory_space<vmem>>) dst(%dma_wait3A_461 : memref<200x128xf32, #tpu.memory_space<hbm>>)
    %dma_start3A_462 = arith.constant 5000 : i32
    %dma_start3A_463 = tpu.memref_slice %arg6[%dma_start3A_462] : memref<6400xi32, #tpu.memory_space<vmem>> -> memref<200xi32, #tpu.memory_space<vmem>>
    %dma_start3A_464 = arith.constant 0 : i32
    %dma_start3A_465 = arith.constant 0 : i32
    %dma_start3A_466 = tpu.memref_slice %arg2[%dma_start3A_464, %dma_start3A_465] : memref<100002x128xf32, #tpu.memory_space<hbm>> -> memref<100002x128xf32, #tpu.memory_space<hbm>>
    tpu.enqueue_indirect_dma source(%dma_start3A_466 : memref<100002x128xf32, #tpu.memory_space<hbm>>) target(%arg9 : memref<200x128xf32, #tpu.memory_space<vmem>>) offsets(%dma_start3A_463 : memref<200xi32, #tpu.memory_space<vmem>>) semaphore(%arg13 : memref<!tpu.dma_semaphore, #tpu.memory_space<semaphore_mem>>)
    %dma_wait3A_467 = arith.constant 4400 : i32
    %dma_wait3A_468 = tpu.memref_slice %arg6[%dma_wait3A_467] : memref<6400xi32, #tpu.memory_space<vmem>> -> memref<200xi32, #tpu.memory_space<vmem>>
    %dma_wait3A_469 = arith.constant 0 : i32
    %dma_wait3A_470 = arith.constant 0 : i32
    %dma_wait3A_471 = tpu.memref_slice %arg2[%dma_wait3A_469, %dma_wait3A_470] : memref<100002x128xf32, #tpu.memory_space<hbm>> -> memref<100002x128xf32, #tpu.memory_space<hbm>>
    tpu.wait_indirect_dma semaphore(%arg14 : memref<!tpu.dma_semaphore, #tpu.memory_space<semaphore_mem>>) src(%dma_wait3A_471 : memref<100002x128xf32, #tpu.memory_space<hbm>>) dst(%arg10 : memref<200x128xf32, #tpu.memory_space<vmem>>)
    %add3A_472 = arith.constant 4400 : i32
    %add3A_473 = arith.addi %mul3A_2, %add3A_472 : i32
    %dma_start3A_474 = arith.constant 0 : i32
    %dma_start3A_475 = tpu.memref_slice %arg4[%add3A_473, %dma_start3A_474] : memref<204800x128xf32, #tpu.memory_space<hbm>> -> memref<200x128xf32, #tpu.memory_space<hbm>>
    %dma_start3A_476 = arith.constant 0 : i32
    %dma_start3A_477 = tpu.memref_slice %arg4[%add3A_473, %dma_start3A_476] : memref<204800x128xf32, #tpu.memory_space<hbm>> -> memref<200x128xf32, #tpu.memory_space<hbm>>
    tpu.enqueue_dma source(%arg10 : memref<200x128xf32, #tpu.memory_space<vmem>>) target(%dma_start3A_477 : memref<200x128xf32, #tpu.memory_space<hbm>>) target_semaphore(%arg18 : memref<!tpu.dma_semaphore, #tpu.memory_space<semaphore_mem>>)
    %dma_wait3A_478 = arith.constant 0 : i32
    %dma_wait3A_479 = tpu.memref_slice %arg4[%add3A_473, %dma_wait3A_478] : memref<204800x128xf32, #tpu.memory_space<hbm>> -> memref<200x128xf32, #tpu.memory_space<hbm>>
    %dma_wait3A_480 = arith.constant 0 : i32
    %dma_wait3A_481 = tpu.memref_slice %arg4[%add3A_473, %dma_wait3A_480] : memref<204800x128xf32, #tpu.memory_space<hbm>> -> memref<200x128xf32, #tpu.memory_space<hbm>>
    tpu.wait_dma2 semaphore(%arg18 : memref<!tpu.dma_semaphore, #tpu.memory_space<semaphore_mem>>) src(%arg10 : memref<200x128xf32, #tpu.memory_space<vmem>>) dst(%dma_wait3A_481 : memref<200x128xf32, #tpu.memory_space<hbm>>)
    %dma_start3A_482 = arith.constant 5200 : i32
    %dma_start3A_483 = tpu.memref_slice %arg6[%dma_start3A_482] : memref<6400xi32, #tpu.memory_space<vmem>> -> memref<200xi32, #tpu.memory_space<vmem>>
    %dma_start3A_484 = arith.constant 0 : i32
    %dma_start3A_485 = arith.constant 0 : i32
    %dma_start3A_486 = tpu.memref_slice %arg2[%dma_start3A_484, %dma_start3A_485] : memref<100002x128xf32, #tpu.memory_space<hbm>> -> memref<100002x128xf32, #tpu.memory_space<hbm>>
    tpu.enqueue_indirect_dma source(%dma_start3A_486 : memref<100002x128xf32, #tpu.memory_space<hbm>>) target(%arg10 : memref<200x128xf32, #tpu.memory_space<vmem>>) offsets(%dma_start3A_483 : memref<200xi32, #tpu.memory_space<vmem>>) semaphore(%arg14 : memref<!tpu.dma_semaphore, #tpu.memory_space<semaphore_mem>>)
    %dma_wait3A_487 = arith.constant 4600 : i32
    %dma_wait3A_488 = tpu.memref_slice %arg6[%dma_wait3A_487] : memref<6400xi32, #tpu.memory_space<vmem>> -> memref<200xi32, #tpu.memory_space<vmem>>
    %dma_wait3A_489 = arith.constant 0 : i32
    %dma_wait3A_490 = arith.constant 0 : i32
    %dma_wait3A_491 = tpu.memref_slice %arg2[%dma_wait3A_489, %dma_wait3A_490] : memref<100002x128xf32, #tpu.memory_space<hbm>> -> memref<100002x128xf32, #tpu.memory_space<hbm>>
    tpu.wait_indirect_dma semaphore(%arg15 : memref<!tpu.dma_semaphore, #tpu.memory_space<semaphore_mem>>) src(%dma_wait3A_491 : memref<100002x128xf32, #tpu.memory_space<hbm>>) dst(%arg11 : memref<200x128xf32, #tpu.memory_space<vmem>>)
    %add3A_492 = arith.constant 4600 : i32
    %add3A_493 = arith.addi %mul3A_2, %add3A_492 : i32
    %dma_start3A_494 = arith.constant 0 : i32
    %dma_start3A_495 = tpu.memref_slice %arg4[%add3A_493, %dma_start3A_494] : memref<204800x128xf32, #tpu.memory_space<hbm>> -> memref<200x128xf32, #tpu.memory_space<hbm>>
    %dma_start3A_496 = arith.constant 0 : i32
    %dma_start3A_497 = tpu.memref_slice %arg4[%add3A_493, %dma_start3A_496] : memref<204800x128xf32, #tpu.memory_space<hbm>> -> memref<200x128xf32, #tpu.memory_space<hbm>>
    tpu.enqueue_dma source(%arg11 : memref<200x128xf32, #tpu.memory_space<vmem>>) target(%dma_start3A_497 : memref<200x128xf32, #tpu.memory_space<hbm>>) target_semaphore(%arg19 : memref<!tpu.dma_semaphore, #tpu.memory_space<semaphore_mem>>)
    %dma_wait3A_498 = arith.constant 0 : i32
    %dma_wait3A_499 = tpu.memref_slice %arg4[%add3A_493, %dma_wait3A_498] : memref<204800x128xf32, #tpu.memory_space<hbm>> -> memref<200x128xf32, #tpu.memory_space<hbm>>
    %dma_wait3A_500 = arith.constant 0 : i32
    %dma_wait3A_501 = tpu.memref_slice %arg4[%add3A_493, %dma_wait3A_500] : memref<204800x128xf32, #tpu.memory_space<hbm>> -> memref<200x128xf32, #tpu.memory_space<hbm>>
    tpu.wait_dma2 semaphore(%arg19 : memref<!tpu.dma_semaphore, #tpu.memory_space<semaphore_mem>>) src(%arg11 : memref<200x128xf32, #tpu.memory_space<vmem>>) dst(%dma_wait3A_501 : memref<200x128xf32, #tpu.memory_space<hbm>>)
    %dma_start3A_502 = arith.constant 5400 : i32
    %dma_start3A_503 = tpu.memref_slice %arg6[%dma_start3A_502] : memref<6400xi32, #tpu.memory_space<vmem>> -> memref<200xi32, #tpu.memory_space<vmem>>
    %dma_start3A_504 = arith.constant 0 : i32
    %dma_start3A_505 = arith.constant 0 : i32
    %dma_start3A_506 = tpu.memref_slice %arg2[%dma_start3A_504, %dma_start3A_505] : memref<100002x128xf32, #tpu.memory_space<hbm>> -> memref<100002x128xf32, #tpu.memory_space<hbm>>
    tpu.enqueue_indirect_dma source(%dma_start3A_506 : memref<100002x128xf32, #tpu.memory_space<hbm>>) target(%arg11 : memref<200x128xf32, #tpu.memory_space<vmem>>) offsets(%dma_start3A_503 : memref<200xi32, #tpu.memory_space<vmem>>) semaphore(%arg15 : memref<!tpu.dma_semaphore, #tpu.memory_space<semaphore_mem>>)
    %dma_wait3A_507 = arith.constant 4800 : i32
    %dma_wait3A_508 = tpu.memref_slice %arg6[%dma_wait3A_507] : memref<6400xi32, #tpu.memory_space<vmem>> -> memref<200xi32, #tpu.memory_space<vmem>>
    %dma_wait3A_509 = arith.constant 0 : i32
    %dma_wait3A_510 = arith.constant 0 : i32
    %dma_wait3A_511 = tpu.memref_slice %arg2[%dma_wait3A_509, %dma_wait3A_510] : memref<100002x128xf32, #tpu.memory_space<hbm>> -> memref<100002x128xf32, #tpu.memory_space<hbm>>
    tpu.wait_indirect_dma semaphore(%arg12 : memref<!tpu.dma_semaphore, #tpu.memory_space<semaphore_mem>>) src(%dma_wait3A_511 : memref<100002x128xf32, #tpu.memory_space<hbm>>) dst(%arg8 : memref<200x128xf32, #tpu.memory_space<vmem>>)
    %add3A_512 = arith.constant 4800 : i32
    %add3A_513 = arith.addi %mul3A_2, %add3A_512 : i32
    %dma_start3A_514 = arith.constant 0 : i32
    %dma_start3A_515 = tpu.memref_slice %arg4[%add3A_513, %dma_start3A_514] : memref<204800x128xf32, #tpu.memory_space<hbm>> -> memref<200x128xf32, #tpu.memory_space<hbm>>
    %dma_start3A_516 = arith.constant 0 : i32
    %dma_start3A_517 = tpu.memref_slice %arg4[%add3A_513, %dma_start3A_516] : memref<204800x128xf32, #tpu.memory_space<hbm>> -> memref<200x128xf32, #tpu.memory_space<hbm>>
    tpu.enqueue_dma source(%arg8 : memref<200x128xf32, #tpu.memory_space<vmem>>) target(%dma_start3A_517 : memref<200x128xf32, #tpu.memory_space<hbm>>) target_semaphore(%arg16 : memref<!tpu.dma_semaphore, #tpu.memory_space<semaphore_mem>>)
    %dma_wait3A_518 = arith.constant 0 : i32
    %dma_wait3A_519 = tpu.memref_slice %arg4[%add3A_513, %dma_wait3A_518] : memref<204800x128xf32, #tpu.memory_space<hbm>> -> memref<200x128xf32, #tpu.memory_space<hbm>>
    %dma_wait3A_520 = arith.constant 0 : i32
    %dma_wait3A_521 = tpu.memref_slice %arg4[%add3A_513, %dma_wait3A_520] : memref<204800x128xf32, #tpu.memory_space<hbm>> -> memref<200x128xf32, #tpu.memory_space<hbm>>
    tpu.wait_dma2 semaphore(%arg16 : memref<!tpu.dma_semaphore, #tpu.memory_space<semaphore_mem>>) src(%arg8 : memref<200x128xf32, #tpu.memory_space<vmem>>) dst(%dma_wait3A_521 : memref<200x128xf32, #tpu.memory_space<hbm>>)
    %dma_start3A_522 = arith.constant 5600 : i32
    %dma_start3A_523 = tpu.memref_slice %arg6[%dma_start3A_522] : memref<6400xi32, #tpu.memory_space<vmem>> -> memref<200xi32, #tpu.memory_space<vmem>>
    %dma_start3A_524 = arith.constant 0 : i32
    %dma_start3A_525 = arith.constant 0 : i32
    %dma_start3A_526 = tpu.memref_slice %arg2[%dma_start3A_524, %dma_start3A_525] : memref<100002x128xf32, #tpu.memory_space<hbm>> -> memref<100002x128xf32, #tpu.memory_space<hbm>>
    tpu.enqueue_indirect_dma source(%dma_start3A_526 : memref<100002x128xf32, #tpu.memory_space<hbm>>) target(%arg8 : memref<200x128xf32, #tpu.memory_space<vmem>>) offsets(%dma_start3A_523 : memref<200xi32, #tpu.memory_space<vmem>>) semaphore(%arg12 : memref<!tpu.dma_semaphore, #tpu.memory_space<semaphore_mem>>)
    %dma_wait3A_527 = arith.constant 5000 : i32
    %dma_wait3A_528 = tpu.memref_slice %arg6[%dma_wait3A_527] : memref<6400xi32, #tpu.memory_space<vmem>> -> memref<200xi32, #tpu.memory_space<vmem>>
    %dma_wait3A_529 = arith.constant 0 : i32
    %dma_wait3A_530 = arith.constant 0 : i32
    %dma_wait3A_531 = tpu.memref_slice %arg2[%dma_wait3A_529, %dma_wait3A_530] : memref<100002x128xf32, #tpu.memory_space<hbm>> -> memref<100002x128xf32, #tpu.memory_space<hbm>>
    tpu.wait_indirect_dma semaphore(%arg13 : memref<!tpu.dma_semaphore, #tpu.memory_space<semaphore_mem>>) src(%dma_wait3A_531 : memref<100002x128xf32, #tpu.memory_space<hbm>>) dst(%arg9 : memref<200x128xf32, #tpu.memory_space<vmem>>)
    %add3A_532 = arith.constant 5000 : i32
    %add3A_533 = arith.addi %mul3A_2, %add3A_532 : i32
    %dma_start3A_534 = arith.constant 0 : i32
    %dma_start3A_535 = tpu.memref_slice %arg4[%add3A_533, %dma_start3A_534] : memref<204800x128xf32, #tpu.memory_space<hbm>> -> memref<200x128xf32, #tpu.memory_space<hbm>>
    %dma_start3A_536 = arith.constant 0 : i32
    %dma_start3A_537 = tpu.memref_slice %arg4[%add3A_533, %dma_start3A_536] : memref<204800x128xf32, #tpu.memory_space<hbm>> -> memref<200x128xf32, #tpu.memory_space<hbm>>
    tpu.enqueue_dma source(%arg9 : memref<200x128xf32, #tpu.memory_space<vmem>>) target(%dma_start3A_537 : memref<200x128xf32, #tpu.memory_space<hbm>>) target_semaphore(%arg17 : memref<!tpu.dma_semaphore, #tpu.memory_space<semaphore_mem>>)
    %dma_wait3A_538 = arith.constant 0 : i32
    %dma_wait3A_539 = tpu.memref_slice %arg4[%add3A_533, %dma_wait3A_538] : memref<204800x128xf32, #tpu.memory_space<hbm>> -> memref<200x128xf32, #tpu.memory_space<hbm>>
    %dma_wait3A_540 = arith.constant 0 : i32
    %dma_wait3A_541 = tpu.memref_slice %arg4[%add3A_533, %dma_wait3A_540] : memref<204800x128xf32, #tpu.memory_space<hbm>> -> memref<200x128xf32, #tpu.memory_space<hbm>>
    tpu.wait_dma2 semaphore(%arg17 : memref<!tpu.dma_semaphore, #tpu.memory_space<semaphore_mem>>) src(%arg9 : memref<200x128xf32, #tpu.memory_space<vmem>>) dst(%dma_wait3A_541 : memref<200x128xf32, #tpu.memory_space<hbm>>)
    %dma_start3A_542 = arith.constant 5800 : i32
    %dma_start3A_543 = tpu.memref_slice %arg6[%dma_start3A_542] : memref<6400xi32, #tpu.memory_space<vmem>> -> memref<200xi32, #tpu.memory_space<vmem>>
    %dma_start3A_544 = arith.constant 0 : i32
    %dma_start3A_545 = arith.constant 0 : i32
    %dma_start3A_546 = tpu.memref_slice %arg2[%dma_start3A_544, %dma_start3A_545] : memref<100002x128xf32, #tpu.memory_space<hbm>> -> memref<100002x128xf32, #tpu.memory_space<hbm>>
    tpu.enqueue_indirect_dma source(%dma_start3A_546 : memref<100002x128xf32, #tpu.memory_space<hbm>>) target(%arg9 : memref<200x128xf32, #tpu.memory_space<vmem>>) offsets(%dma_start3A_543 : memref<200xi32, #tpu.memory_space<vmem>>) semaphore(%arg13 : memref<!tpu.dma_semaphore, #tpu.memory_space<semaphore_mem>>)
    %dma_wait3A_547 = arith.constant 5200 : i32
    %dma_wait3A_548 = tpu.memref_slice %arg6[%dma_wait3A_547] : memref<6400xi32, #tpu.memory_space<vmem>> -> memref<200xi32, #tpu.memory_space<vmem>>
    %dma_wait3A_549 = arith.constant 0 : i32
    %dma_wait3A_550 = arith.constant 0 : i32
    %dma_wait3A_551 = tpu.memref_slice %arg2[%dma_wait3A_549, %dma_wait3A_550] : memref<100002x128xf32, #tpu.memory_space<hbm>> -> memref<100002x128xf32, #tpu.memory_space<hbm>>
    tpu.wait_indirect_dma semaphore(%arg14 : memref<!tpu.dma_semaphore, #tpu.memory_space<semaphore_mem>>) src(%dma_wait3A_551 : memref<100002x128xf32, #tpu.memory_space<hbm>>) dst(%arg10 : memref<200x128xf32, #tpu.memory_space<vmem>>)
    %add3A_552 = arith.constant 5200 : i32
    %add3A_553 = arith.addi %mul3A_2, %add3A_552 : i32
    %dma_start3A_554 = arith.constant 0 : i32
    %dma_start3A_555 = tpu.memref_slice %arg4[%add3A_553, %dma_start3A_554] : memref<204800x128xf32, #tpu.memory_space<hbm>> -> memref<200x128xf32, #tpu.memory_space<hbm>>
    %dma_start3A_556 = arith.constant 0 : i32
    %dma_start3A_557 = tpu.memref_slice %arg4[%add3A_553, %dma_start3A_556] : memref<204800x128xf32, #tpu.memory_space<hbm>> -> memref<200x128xf32, #tpu.memory_space<hbm>>
    tpu.enqueue_dma source(%arg10 : memref<200x128xf32, #tpu.memory_space<vmem>>) target(%dma_start3A_557 : memref<200x128xf32, #tpu.memory_space<hbm>>) target_semaphore(%arg18 : memref<!tpu.dma_semaphore, #tpu.memory_space<semaphore_mem>>)
    %dma_wait3A_558 = arith.constant 0 : i32
    %dma_wait3A_559 = tpu.memref_slice %arg4[%add3A_553, %dma_wait3A_558] : memref<204800x128xf32, #tpu.memory_space<hbm>> -> memref<200x128xf32, #tpu.memory_space<hbm>>
    %dma_wait3A_560 = arith.constant 0 : i32
    %dma_wait3A_561 = tpu.memref_slice %arg4[%add3A_553, %dma_wait3A_560] : memref<204800x128xf32, #tpu.memory_space<hbm>> -> memref<200x128xf32, #tpu.memory_space<hbm>>
    tpu.wait_dma2 semaphore(%arg18 : memref<!tpu.dma_semaphore, #tpu.memory_space<semaphore_mem>>) src(%arg10 : memref<200x128xf32, #tpu.memory_space<vmem>>) dst(%dma_wait3A_561 : memref<200x128xf32, #tpu.memory_space<hbm>>)
    %dma_start3A_562 = arith.constant 6000 : i32
    %dma_start3A_563 = tpu.memref_slice %arg6[%dma_start3A_562] : memref<6400xi32, #tpu.memory_space<vmem>> -> memref<200xi32, #tpu.memory_space<vmem>>
    %dma_start3A_564 = arith.constant 0 : i32
    %dma_start3A_565 = arith.constant 0 : i32
    %dma_start3A_566 = tpu.memref_slice %arg2[%dma_start3A_564, %dma_start3A_565] : memref<100002x128xf32, #tpu.memory_space<hbm>> -> memref<100002x128xf32, #tpu.memory_space<hbm>>
    tpu.enqueue_indirect_dma source(%dma_start3A_566 : memref<100002x128xf32, #tpu.memory_space<hbm>>) target(%arg10 : memref<200x128xf32, #tpu.memory_space<vmem>>) offsets(%dma_start3A_563 : memref<200xi32, #tpu.memory_space<vmem>>) semaphore(%arg14 : memref<!tpu.dma_semaphore, #tpu.memory_space<semaphore_mem>>)
    %dma_wait3A_567 = arith.constant 5400 : i32
    %dma_wait3A_568 = tpu.memref_slice %arg6[%dma_wait3A_567] : memref<6400xi32, #tpu.memory_space<vmem>> -> memref<200xi32, #tpu.memory_space<vmem>>
    %dma_wait3A_569 = arith.constant 0 : i32
    %dma_wait3A_570 = arith.constant 0 : i32
    %dma_wait3A_571 = tpu.memref_slice %arg2[%dma_wait3A_569, %dma_wait3A_570] : memref<100002x128xf32, #tpu.memory_space<hbm>> -> memref<100002x128xf32, #tpu.memory_space<hbm>>
    tpu.wait_indirect_dma semaphore(%arg15 : memref<!tpu.dma_semaphore, #tpu.memory_space<semaphore_mem>>) src(%dma_wait3A_571 : memref<100002x128xf32, #tpu.memory_space<hbm>>) dst(%arg11 : memref<200x128xf32, #tpu.memory_space<vmem>>)
    %add3A_572 = arith.constant 5400 : i32
    %add3A_573 = arith.addi %mul3A_2, %add3A_572 : i32
    %dma_start3A_574 = arith.constant 0 : i32
    %dma_start3A_575 = tpu.memref_slice %arg4[%add3A_573, %dma_start3A_574] : memref<204800x128xf32, #tpu.memory_space<hbm>> -> memref<200x128xf32, #tpu.memory_space<hbm>>
    %dma_start3A_576 = arith.constant 0 : i32
    %dma_start3A_577 = tpu.memref_slice %arg4[%add3A_573, %dma_start3A_576] : memref<204800x128xf32, #tpu.memory_space<hbm>> -> memref<200x128xf32, #tpu.memory_space<hbm>>
    tpu.enqueue_dma source(%arg11 : memref<200x128xf32, #tpu.memory_space<vmem>>) target(%dma_start3A_577 : memref<200x128xf32, #tpu.memory_space<hbm>>) target_semaphore(%arg19 : memref<!tpu.dma_semaphore, #tpu.memory_space<semaphore_mem>>)
    %dma_wait3A_578 = arith.constant 0 : i32
    %dma_wait3A_579 = tpu.memref_slice %arg4[%add3A_573, %dma_wait3A_578] : memref<204800x128xf32, #tpu.memory_space<hbm>> -> memref<200x128xf32, #tpu.memory_space<hbm>>
    %dma_wait3A_580 = arith.constant 0 : i32
    %dma_wait3A_581 = tpu.memref_slice %arg4[%add3A_573, %dma_wait3A_580] : memref<204800x128xf32, #tpu.memory_space<hbm>> -> memref<200x128xf32, #tpu.memory_space<hbm>>
    tpu.wait_dma2 semaphore(%arg19 : memref<!tpu.dma_semaphore, #tpu.memory_space<semaphore_mem>>) src(%arg11 : memref<200x128xf32, #tpu.memory_space<vmem>>) dst(%dma_wait3A_581 : memref<200x128xf32, #tpu.memory_space<hbm>>)
    %dma_start3A_582 = arith.constant 6200 : i32
    %dma_start3A_583 = tpu.memref_slice %arg6[%dma_start3A_582] : memref<6400xi32, #tpu.memory_space<vmem>> -> memref<200xi32, #tpu.memory_space<vmem>>
    %dma_start3A_584 = arith.constant 0 : i32
    %dma_start3A_585 = arith.constant 0 : i32
    %dma_start3A_586 = tpu.memref_slice %arg2[%dma_start3A_584, %dma_start3A_585] : memref<100002x128xf32, #tpu.memory_space<hbm>> -> memref<100002x128xf32, #tpu.memory_space<hbm>>
    tpu.enqueue_indirect_dma source(%dma_start3A_586 : memref<100002x128xf32, #tpu.memory_space<hbm>>) target(%arg11 : memref<200x128xf32, #tpu.memory_space<vmem>>) offsets(%dma_start3A_583 : memref<200xi32, #tpu.memory_space<vmem>>) semaphore(%arg15 : memref<!tpu.dma_semaphore, #tpu.memory_space<semaphore_mem>>)
    %dma_wait3A_587 = arith.constant 5600 : i32
    %dma_wait3A_588 = tpu.memref_slice %arg6[%dma_wait3A_587] : memref<6400xi32, #tpu.memory_space<vmem>> -> memref<200xi32, #tpu.memory_space<vmem>>
    %dma_wait3A_589 = arith.constant 0 : i32
    %dma_wait3A_590 = arith.constant 0 : i32
    %dma_wait3A_591 = tpu.memref_slice %arg2[%dma_wait3A_589, %dma_wait3A_590] : memref<100002x128xf32, #tpu.memory_space<hbm>> -> memref<100002x128xf32, #tpu.memory_space<hbm>>
    tpu.wait_indirect_dma semaphore(%arg12 : memref<!tpu.dma_semaphore, #tpu.memory_space<semaphore_mem>>) src(%dma_wait3A_591 : memref<100002x128xf32, #tpu.memory_space<hbm>>) dst(%arg8 : memref<200x128xf32, #tpu.memory_space<vmem>>)
    %add3A_592 = arith.constant 5600 : i32
    %add3A_593 = arith.addi %mul3A_2, %add3A_592 : i32
    %dma_start3A_594 = arith.constant 0 : i32
    %dma_start3A_595 = tpu.memref_slice %arg4[%add3A_593, %dma_start3A_594] : memref<204800x128xf32, #tpu.memory_space<hbm>> -> memref<200x128xf32, #tpu.memory_space<hbm>>
    %dma_start3A_596 = arith.constant 0 : i32
    %dma_start3A_597 = tpu.memref_slice %arg4[%add3A_593, %dma_start3A_596] : memref<204800x128xf32, #tpu.memory_space<hbm>> -> memref<200x128xf32, #tpu.memory_space<hbm>>
    tpu.enqueue_dma source(%arg8 : memref<200x128xf32, #tpu.memory_space<vmem>>) target(%dma_start3A_597 : memref<200x128xf32, #tpu.memory_space<hbm>>) target_semaphore(%arg16 : memref<!tpu.dma_semaphore, #tpu.memory_space<semaphore_mem>>)
    %dma_wait3A_598 = arith.constant 5800 : i32
    %dma_wait3A_599 = tpu.memref_slice %arg6[%dma_wait3A_598] : memref<6400xi32, #tpu.memory_space<vmem>> -> memref<200xi32, #tpu.memory_space<vmem>>
    %dma_wait3A_600 = arith.constant 0 : i32
    %dma_wait3A_601 = arith.constant 0 : i32
    %dma_wait3A_602 = tpu.memref_slice %arg2[%dma_wait3A_600, %dma_wait3A_601] : memref<100002x128xf32, #tpu.memory_space<hbm>> -> memref<100002x128xf32, #tpu.memory_space<hbm>>
    tpu.wait_indirect_dma semaphore(%arg13 : memref<!tpu.dma_semaphore, #tpu.memory_space<semaphore_mem>>) src(%dma_wait3A_602 : memref<100002x128xf32, #tpu.memory_space<hbm>>) dst(%arg9 : memref<200x128xf32, #tpu.memory_space<vmem>>)
    %add3A_603 = arith.constant 5800 : i32
    %add3A_604 = arith.addi %mul3A_2, %add3A_603 : i32
    %dma_start3A_605 = arith.constant 0 : i32
    %dma_start3A_606 = tpu.memref_slice %arg4[%add3A_604, %dma_start3A_605] : memref<204800x128xf32, #tpu.memory_space<hbm>> -> memref<200x128xf32, #tpu.memory_space<hbm>>
    %dma_start3A_607 = arith.constant 0 : i32
    %dma_start3A_608 = tpu.memref_slice %arg4[%add3A_604, %dma_start3A_607] : memref<204800x128xf32, #tpu.memory_space<hbm>> -> memref<200x128xf32, #tpu.memory_space<hbm>>
    tpu.enqueue_dma source(%arg9 : memref<200x128xf32, #tpu.memory_space<vmem>>) target(%dma_start3A_608 : memref<200x128xf32, #tpu.memory_space<hbm>>) target_semaphore(%arg17 : memref<!tpu.dma_semaphore, #tpu.memory_space<semaphore_mem>>)
    %dma_wait3A_609 = arith.constant 6000 : i32
    %dma_wait3A_610 = tpu.memref_slice %arg6[%dma_wait3A_609] : memref<6400xi32, #tpu.memory_space<vmem>> -> memref<200xi32, #tpu.memory_space<vmem>>
    %dma_wait3A_611 = arith.constant 0 : i32
    %dma_wait3A_612 = arith.constant 0 : i32
    %dma_wait3A_613 = tpu.memref_slice %arg2[%dma_wait3A_611, %dma_wait3A_612] : memref<100002x128xf32, #tpu.memory_space<hbm>> -> memref<100002x128xf32, #tpu.memory_space<hbm>>
    tpu.wait_indirect_dma semaphore(%arg14 : memref<!tpu.dma_semaphore, #tpu.memory_space<semaphore_mem>>) src(%dma_wait3A_613 : memref<100002x128xf32, #tpu.memory_space<hbm>>) dst(%arg10 : memref<200x128xf32, #tpu.memory_space<vmem>>)
    %add3A_614 = arith.constant 6000 : i32
    %add3A_615 = arith.addi %mul3A_2, %add3A_614 : i32
    %dma_start3A_616 = arith.constant 0 : i32
    %dma_start3A_617 = tpu.memref_slice %arg4[%add3A_615, %dma_start3A_616] : memref<204800x128xf32, #tpu.memory_space<hbm>> -> memref<200x128xf32, #tpu.memory_space<hbm>>
    %dma_start3A_618 = arith.constant 0 : i32
    %dma_start3A_619 = tpu.memref_slice %arg4[%add3A_615, %dma_start3A_618] : memref<204800x128xf32, #tpu.memory_space<hbm>> -> memref<200x128xf32, #tpu.memory_space<hbm>>
    tpu.enqueue_dma source(%arg10 : memref<200x128xf32, #tpu.memory_space<vmem>>) target(%dma_start3A_619 : memref<200x128xf32, #tpu.memory_space<hbm>>) target_semaphore(%arg18 : memref<!tpu.dma_semaphore, #tpu.memory_space<semaphore_mem>>)
    %dma_wait3A_620 = arith.constant 6200 : i32
    %dma_wait3A_621 = tpu.memref_slice %arg6[%dma_wait3A_620] : memref<6400xi32, #tpu.memory_space<vmem>> -> memref<200xi32, #tpu.memory_space<vmem>>
    %dma_wait3A_622 = arith.constant 0 : i32
    %dma_wait3A_623 = arith.constant 0 : i32
    %dma_wait3A_624 = tpu.memref_slice %arg2[%dma_wait3A_622, %dma_wait3A_623] : memref<100002x128xf32, #tpu.memory_space<hbm>> -> memref<100002x128xf32, #tpu.memory_space<hbm>>
    tpu.wait_indirect_dma semaphore(%arg15 : memref<!tpu.dma_semaphore, #tpu.memory_space<semaphore_mem>>) src(%dma_wait3A_624 : memref<100002x128xf32, #tpu.memory_space<hbm>>) dst(%arg11 : memref<200x128xf32, #tpu.memory_space<vmem>>)
    %add3A_625 = arith.constant 6200 : i32
    %add3A_626 = arith.addi %mul3A_2, %add3A_625 : i32
    %dma_start3A_627 = arith.constant 0 : i32
    %dma_start3A_628 = tpu.memref_slice %arg4[%add3A_626, %dma_start3A_627] : memref<204800x128xf32, #tpu.memory_space<hbm>> -> memref<200x128xf32, #tpu.memory_space<hbm>>
    %dma_start3A_629 = arith.constant 0 : i32
    %dma_start3A_630 = tpu.memref_slice %arg4[%add3A_626, %dma_start3A_629] : memref<204800x128xf32, #tpu.memory_space<hbm>> -> memref<200x128xf32, #tpu.memory_space<hbm>>
    tpu.enqueue_dma source(%arg11 : memref<200x128xf32, #tpu.memory_space<vmem>>) target(%dma_start3A_630 : memref<200x128xf32, #tpu.memory_space<hbm>>) target_semaphore(%arg19 : memref<!tpu.dma_semaphore, #tpu.memory_space<semaphore_mem>>)
    %dma_wait3A_631 = arith.constant 0 : i32
    %dma_wait3A_632 = tpu.memref_slice %arg4[%add3A_593, %dma_wait3A_631] : memref<204800x128xf32, #tpu.memory_space<hbm>> -> memref<200x128xf32, #tpu.memory_space<hbm>>
    %dma_wait3A_633 = arith.constant 0 : i32
    %dma_wait3A_634 = tpu.memref_slice %arg4[%add3A_593, %dma_wait3A_633] : memref<204800x128xf32, #tpu.memory_space<hbm>> -> memref<200x128xf32, #tpu.memory_space<hbm>>
    tpu.wait_dma2 semaphore(%arg16 : memref<!tpu.dma_semaphore, #tpu.memory_space<semaphore_mem>>) src(%arg8 : memref<200x128xf32, #tpu.memory_space<vmem>>) dst(%dma_wait3A_634 : memref<200x128xf32, #tpu.memory_space<hbm>>)
    %dma_wait3A_635 = arith.constant 0 : i32
    %dma_wait3A_636 = tpu.memref_slice %arg4[%add3A_604, %dma_wait3A_635] : memref<204800x128xf32, #tpu.memory_space<hbm>> -> memref<200x128xf32, #tpu.memory_space<hbm>>
    %dma_wait3A_637 = arith.constant 0 : i32
    %dma_wait3A_638 = tpu.memref_slice %arg4[%add3A_604, %dma_wait3A_637] : memref<204800x128xf32, #tpu.memory_space<hbm>> -> memref<200x128xf32, #tpu.memory_space<hbm>>
    tpu.wait_dma2 semaphore(%arg17 : memref<!tpu.dma_semaphore, #tpu.memory_space<semaphore_mem>>) src(%arg9 : memref<200x128xf32, #tpu.memory_space<vmem>>) dst(%dma_wait3A_638 : memref<200x128xf32, #tpu.memory_space<hbm>>)
    %dma_wait3A_639 = arith.constant 0 : i32
    %dma_wait3A_640 = tpu.memref_slice %arg4[%add3A_615, %dma_wait3A_639] : memref<204800x128xf32, #tpu.memory_space<hbm>> -> memref<200x128xf32, #tpu.memory_space<hbm>>
    %dma_wait3A_641 = arith.constant 0 : i32
    %dma_wait3A_642 = tpu.memref_slice %arg4[%add3A_615, %dma_wait3A_641] : memref<204800x128xf32, #tpu.memory_space<hbm>> -> memref<200x128xf32, #tpu.memory_space<hbm>>
    tpu.wait_dma2 semaphore(%arg18 : memref<!tpu.dma_semaphore, #tpu.memory_space<semaphore_mem>>) src(%arg10 : memref<200x128xf32, #tpu.memory_space<vmem>>) dst(%dma_wait3A_642 : memref<200x128xf32, #tpu.memory_space<hbm>>)
    %dma_wait3A_643 = arith.constant 0 : i32
    %dma_wait3A_644 = tpu.memref_slice %arg4[%add3A_626, %dma_wait3A_643] : memref<204800x128xf32, #tpu.memory_space<hbm>> -> memref<200x128xf32, #tpu.memory_space<hbm>>
    %dma_wait3A_645 = arith.constant 0 : i32
    %dma_wait3A_646 = tpu.memref_slice %arg4[%add3A_626, %dma_wait3A_645] : memref<204800x128xf32, #tpu.memory_space<hbm>> -> memref<200x128xf32, #tpu.memory_space<hbm>>
    tpu.wait_dma2 semaphore(%arg19 : memref<!tpu.dma_semaphore, #tpu.memory_space<semaphore_mem>>) src(%arg11 : memref<200x128xf32, #tpu.memory_space<vmem>>) dst(%dma_wait3A_646 : memref<200x128xf32, #tpu.memory_space<hbm>>)
    return
  }
}

</mosaic_0001>

<sc_bundles>
// kernel: _embed.3.cloned.1.call-start
scs
__scs_entry_jumppad:
0x0: {  	(pc) =	sbr.rel $0x88, $3  }
0x1: {  	(tag) =	ssettag $0x0;
	lr =	simm.s32 $0x1  }
0x2: {  	[smem:$0x3F9F] =	sst lr;
	_ =	strace $0xD0000000  }
0x3: {  	_ = 	snop  }
0x4: {  	_ = 	snop  }
0x5: {  	_ = 	snop  }
0x6: {  	_ = 	snop  }
0x7: {  	_ = 	snop  }
__scs_overlays_trampoline_lowered:
0x8: {  	[smem:$0x3FAE] =	sst s0  }
0x9: {  	[smem:$0x3FAF] =	sst s1  }
0xa: {  	[smem:$0x3FB0] =	sst s2  }
0xb: {  	[smem:$0x3FB1] =	sst s3  }
0xc: {  	[smem:$0x3FB2] =	sst s4  }
0xd: {  	[smem:$0x3FB3] =	sst s5  }
0xe: {  	[smem:$0x3FB4] =	sst s6  }
0xf: {  	[smem:$0x3FB5] =	sst s7  }
0x10: {  	[smem:$0x3FB6] =	sst s8  }
0x11: {  	[smem:$0x3FB7] =	sst s9;
	s0 =	simm.s32 @!p0 $0x0  }
0x12: {  	s1 =	sld [smem:$0x3F9D];
	s0 =	simm.s32 @p0 $0x1  }
0x13: {  	[smem:$0x3FB8] =	sst s0;
	s0 =	simm.s32 @!p1 $0x0  }
0x14: {  	s2 =	sld [smem:$0x3F9C];
	s0 =	simm.s32 @p1 $0x1  }
0x15: {  	[smem:$0x3FB9] =	sst s0;
	s0 =	simm.s32 @!p2 $0x0  }
0x16: {  	s3 =	sld [smem:$0x3FDB];
	s0 =	simm.s32 @p2 $0x1  }
0x17: {  	s4 =	simm.s32 $0x1BF5;
	[smem:$0x3FBB] =	sst s0  }
0x18: {  	s0 =	sld [smem:$0x3F9E];
	_ =	swait.ge [sflag:s4], $0x0  }
0x19: {  	s7 =	sld [smem:$0x3F9F]  }
0x1a: {  	s8 =	sadd.s32 $0xFFFFE003, lr  }
0x1b: {  	s9 =	sadd.s32 $0xFFFFFEF7, lr;
	s5 =	simm.s32 $0xFFFFFFFF;
	p2 =	slt.u32 s8, $0xFFFFF086  }
0x1c: {  	p1 =	slt.u32 s9, $0xF7A;
	s5 =	simm.s32 @!p2 $0x0  }
0x1d: {  	s5 =	simm.s32 @p1 $0x1;
	p0 =	seq.s32 s7, s2  }
0x1e: {  	s7 =	smul.u32 @!p0 $0xF7A, s2;
	p2 =	seq.s32 @!p0 s5, $0x0  }
0x1f: {  	s9 =	smul.u32 $0xF7A, s1;
	s8 =	simm.s32 @!p0 $0x1BF5;
	p2 =	por !p2, p0  }
0x20: {  	[sflag:s8] =	ssyncset.s32 @!p0 $0xFFFFF086;
	s6 =	sadd.s32 @!p0 s3, s7;
	s7 =	simm.s32 @!p0 $0x108  }
0x21: {  	s3 =	sadd.s32 s3, s9;
	s6 =	sadd.s32 @!p0 $0x88, s6;
	s7 =	simm.s32 @p2 $0x1082  }
0x22: {  	[simem:s7], [sflag:s8] =	dma.local @!p0 [hbm:s6], $0xF7A  }
0x23: {  	s9 =	sor.u32 $0xD0000000, s2;
	s6 =	simm.s32 $0x108;
	_ =	swait.ge @!p0 [sflag:s8], $0x0  }
0x24: {  	s3 =	sadd.s32 $0x88, s3;
	s6 =	simm.s32 @!p1 $0x1082;
	[sflag:s4] =	ssyncset.s32 $0xFFFFF086  }
0x25: {  	[simem:s6], [sflag:s4] =	dma.local [hbm:s3], $0xF7A  }
0x26: {  	[smem:$0x3F9F] =	sst s1;
	(tag) =	ssettag s2;
	_ =	strace s9  }
0x27: {  	s1 =	sld [smem:$0x3FAF]  }
0x28: {  	s2 =	sld [smem:$0x3FB0]  }
0x29: {  	s4 =	sld [smem:$0x3FB2]  }
0x2a: {  	p0 =	seq.s32 s5, $0x0;
	s5 =	sld [smem:$0x3FB3]  }
0x2b: {  	s6 =	sld [smem:$0x3FB4]  }
0x2c: {  	s7 =	sld [smem:$0x3FB5]  }
0x2d: {  	s3 =	simm.s32 $0x108;
	s8 =	sld [smem:$0x3FB6]  }
0x2e: {  	s3 =	simm.s32 @!p0 $0x1082;
	s9 =	sld [smem:$0x3FB7]  }
0x2f: {  	lr =	sadd.s32 s0, s3;
	s0 =	sld [smem:$0x3FAE]  }
0x30: {  	s3 =	sld [smem:$0x3FB1]  }
0x31: {  	[smem:$0x3FBA] =	sst s10  }
0x32: {  	s10 =	sld [smem:$0x3FB8];
	_ =	sdelay $0x3  }
0x33: {  	p0 =	seq.s32 s10, $0x1;
	s10 =	sld [smem:$0x3FBA];
	_ =	sdelay $0x3  }
0x34: {  	[smem:$0x3FBA] =	sst s10  }
0x35: {  	s10 =	sld [smem:$0x3FB9];
	_ =	sdelay $0x3  }
0x36: {  	p1 =	seq.s32 s10, $0x1;
	s10 =	sld [smem:$0x3FBA];
	_ =	sdelay $0x3  }
0x37: {  	[smem:$0x3FBA] =	sst s10  }
0x38: {  	s10 =	sld [smem:$0x3FBB]  }
0x39: {  	_ = 	snop;
	(pc) =	sbr.ind lr, $3  }
0x3a: {  	_ = 	snop  }
0x3b: {  	_ = 	snop  }
0x3c: {  	p2 =	seq.s32 s10, $0x1;
	s10 =	sld [smem:$0x3FBA]  }
0x3d: {  	_ =	shalt  }
0x3e: {  	_ =	shalt  }
0x3f: {  	_ =	shalt  }
0x40: {  	_ =	shalt  }
0x41: {  	_ =	shalt  }
0x42: {  	_ =	shalt  }
0x43: {  	_ =	shalt  }
0x44: {  	_ =	shalt  }
0x45: {  	_ =	shalt  }
0x46: {  	_ =	shalt  }
0x47: {  	_ =	shalt  }
0x48: {  	_ =	shalt  }
0x49: {  	_ =	shalt  }
0x4a: {  	_ =	shalt  }
0x4b: {  	_ =	shalt  }
0x4c: {  	_ =	shalt  }
0x4d: {  	_ =	shalt  }
0x4e: {  	_ =	shalt  }
0x4f: {  	_ =	shalt  }
0x50: {  	_ =	shalt  }
0x51: {  	_ =	shalt  }
0x52: {  	_ =	shalt  }
0x53: {  	_ =	shalt  }
0x54: {  	_ =	shalt  }
0x55: {  	_ =	shalt  }
0x56: {  	_ =	shalt  }
0x57: {  	_ =	shalt  }
0x58: {  	_ =	shalt  }
0x59: {  	_ =	shalt  }
0x5a: {  	_ =	shalt  }
0x5b: {  	_ =	shalt  }
0x5c: {  	_ =	shalt  }
0x5d: {  	_ =	shalt  }
0x5e: {  	_ =	shalt  }
0x5f: {  	_ =	shalt  }
0x60: {  	_ =	shalt  }
0x61: {  	_ =	shalt  }
0x62: {  	_ =	shalt  }
0x63: {  	_ =	shalt  }
0x64: {  	_ =	shalt  }
0x65: {  	_ =	shalt  }
0x66: {  	_ =	shalt  }
0x67: {  	_ =	shalt  }
0x68: {  	_ =	shalt  }
0x69: {  	_ =	shalt  }
0x6a: {  	_ =	shalt  }
0x6b: {  	_ =	shalt  }
0x6c: {  	_ =	shalt  }
0x6d: {  	_ =	shalt  }
0x6e: {  	_ =	shalt  }
0x6f: {  	_ =	shalt  }
0x70: {  	_ =	shalt  }
0x71: {  	_ =	shalt  }
0x72: {  	_ =	shalt  }
0x73: {  	_ =	shalt  }
0x74: {  	_ =	shalt  }
0x75: {  	_ =	shalt  }
0x76: {  	_ =	shalt  }
0x77: {  	_ =	shalt  }
0x78: {  	_ =	shalt  }
0x79: {  	_ =	shalt  }
0x7a: {  	_ =	shalt  }
0x7b: {  	_ =	shalt  }
0x7c: {  	_ =	shalt  }
0x7d: {  	_ =	shalt  }
0x7e: {  	_ =	shalt  }
0x7f: {  	_ =	shalt  }
0x80: {  	_ =	shalt  }
0x81: {  	_ =	shalt  }
0x82: {  	_ =	shalt  }
0x83: {  	_ =	shalt  }
0x84: {  	_ =	shalt  }
0x85: {  	_ =	shalt  }
0x86: {  	_ =	shalt  }
0x87: {  	_ =	shalt  }
.Lfunc_end0:
.L_simem_size_0:
called_computation_lowered:
.L_overlay_start_0:
0x88: {  	s2 =	sld [smem:$0x3FD9]  }
0x89: {  	s3 =	sld [smem:$0x3FFE];
	_ =	sdelay $0x1  }
0x8a: {  	s1 =	srdreg.scid  }
0x8b: {  	s0 =	sand.u32 $0x1, s1  }
0x8c: {  	s15 =	sshll.u32 s0, $0xA;
	s2 =	sadd.s32 s3, s2  }
0x8d: {  	s2 =	sadd.s32 s2, s15  }
0x8e: {  	[smem:$0x3FC6] =	sst s2  }
0x8f: {  	_ = 	snop  }
0x90: {  	s2 =	sld [smem:$0x3FD0];
	_ =	sdelay $0x1  }
0x91: {  	s16 =	sld [smem:$0x3FC9]  }
0x92: {  	s5 =	simm.s32 $0xA;
	s6 =	simm.s32 $0x10;
	s4 =	sld [smem:$0x3FC8]  }
0x93: {  	[smem:s6], [sflag:s5] =	dma.local [hbm:s2], $0x1  }
0x94: {  	_ =	swait.eq [sflag:s5], $0x1  }
0x95: {  	[sflag:s5] =	ssyncset.done $0x0  }
0x96: {  	s17 =	sld [smem:$0x10];
	[sflag:s5] =	ssyncadd.s32 $0xFFFFFFFF  }
0x97: {  	s18 =	sld [smem:$0x11];
	(tm) =	ssettm $0x1  }
0x98: {  	s19 =	sld [smem:$0x3FFB];
	_ =	sdelay $0x3  }
0x99: {  	_ =	strace s19  }
0x9a: {  	s6 =	sld [smem:$0x3FFC];
	_ =	sdelay $0x3  }
0x9b: {  	_ =	strace s6  }
0x9c: {  	s6 =	sld [smem:$0x3FFD];
	_ =	sdelay $0x3  }
0x9d: {  	_ =	strace s6  }
0x9e: {  	_ =	strace $0x8FFFFFFF  }
0x9f: {  	s20 =	sld [smem:$0x3FDB];
	_ =	sdelay $0x1  }
0xa0: {  	s7 =	simm.s32 $_scs_section_size  }
0xa1: {  	s8 =	simm.s32 $_size__tile_overlayer_lowered;
	s9 =	simm.s32 $_tile_overlayer_lowered  }
0xa2: {  	s23 =	simm.s32 $0x1BFF;
	s22 =	sshll.u32 s9, $0x1;
	s6 =	sadd.s32 s7, s20  }
0xa3: {  	s10 =	simm.s32 $0x0;
	s21 =	sshll.u32 s8, $0x1;
	s8 =	sadd.s32 s22, s6  }
0xa4: {  	[timem:s10], [sflag:s23] =	dma.local [hbm:s8], s21  }
0xa5: {  	_ =	swait.ge [sflag:s23], s21  }
0xa6: {  	s7 =	ssub.s32 $0x0, s21;
	[sflag:s23] =	ssyncset.done $0x0  }
0xa7: {  	[sflag:s23] =	ssyncadd.s32 s7;
	_ =	sdelay $0x1  }
0xa8: {  	s24 =	simm.s32 $0x1B8B  }
0xa9: {  	_ =	swait.ge [sflag:s24], $0x1  }
0xaa: {  	[sflag:s24] =	ssyncset.done $0x0  }
0xab: {  	s25 =	simm.s32 $0x1B8E;
	[sflag:s24] =	ssyncadd.s32 $0xFFFFFFFF  }
0xac: {  	s26 =	simm.s32 $execute0_lowered;
	[smem:$0x3FD2] =	sst s25  }
0xad: {  	s7 =	sshll.u32 s26, $0x1;
	_ =	strace $0x80000046;
	[dreg:$0x1] =	wrdreg $0xFFFFFFFF  }
0xae: {  	s28 =	simm.s32 $_size_execute0_lowered;
	s6 =	sadd.s32 s6, s7;
	[dreg:$0x0] =	wrdreg $0x0  }
0xaf: {  	s7 =	sshll.u32 s28, $0x1;
	[dreg:$0x2] =	wrdreg s6  }
0xb0: {  	[dreg:$0x3] =	wrdreg s7  }
0xb1: {  	[dreg:$0x4] =	wrdreg $0xC0  }
0xb2: {  	_ =	task [dreg:s10], $0x5FFFF  }
0xb3: {  	[dreg:$0x1] =	wrdreg $0xFFFFFFFF  }
0xb4: {  	[dreg:$0x0] =	wrdreg $0x60  }
0xb5: {  	[dreg:$0x2] =	wrdreg s4  }
0xb6: {  	[dreg:$0x3] =	wrdreg s16  }
0xb7: {  	[dreg:$0x4] =	wrdreg s17  }
0xb8: {  	[dreg:$0x5] =	wrdreg s18  }
0xb9: {  	[dreg:$0x6] =	wrdreg $0x9  }
0xba: {  	_ =	task.clear_ibuf [dreg:s10], $0x7FFFF;
	_ =	strace $0x90000046  }
0xbb: {  	s29 =	simm.s32 $0x9;
	_ =	strace $0x80000048  }
0xbc: {  	_ =	swait.ge [sflag:s29], $0x1  }
0xbd: {  	[sflag:s29] =	ssyncadd.s32 $0xFFFFFFFF  }
0xbe: {  	_ =	strace $0x90000048  }
0xbf: {  	_ =	sfence  }
0xc0: {  	s30 =	sld [smem:$0x0];
	_ =	sdelay $0x2  }
0xc1: {  	s31 =	sshll.u32 s1, $0xD;
	s1 =	sshrl.u32 s1, $0x2  }
0xc2: {  	s3 =	sand.u32 $0x4000, s31;
	s1 =	sadd.s32 s1, s30  }
0xc3: {  	s0 =	sor.u32 s3, s0;
	s1 =	sshll.u32 s1, $0x11  }
0xc4: {  	s0 =	sor.u32 s1, s0  }
0xc5: {  	s0 =	sadd.s32 $0x8F2B, s0  }
0xc6: {  	[sflag:s0] =	ssyncadd.remote.s32 $0x1  }
0xc7: {  	_ =	sfence.sel $0xFFFF  }
0xc8: {  	[dreg:$0x0] =	wrdreg $0xFFFFFFFF;
	(pc) =	sbr.abs _section_cstart, $3  }
0xc9: {  	[dreg:$0x1] =	wrdreg $0xFFFFFFFF  }
0xca: {  	_ =	task.clear_ibuf [dreg:s10], $0x2FFFF;
	_ =	strace $0x9FFFFFFF  }
0xcb: {  	(tm) =	ssettm $0x7FFFFFFF  }
tec
execute0_lowered:
.L_overlay_start_1:
0x0: {  	(tag) =	ssettag $0x1  }
0x1: {  	s2 =	srdreg.scid;
	s3 =	stileid.u32  }
0x2: {  	s1 =	rddreg [dreg:$0x0];
	s2 =	sand.u32 $0x1, s2;
	s3 =	sshll.u32 s3, $0x1  }
0x3: {  	s0 =	rddreg [dreg:$0x1];
	s6 =	sor.u32 s2, s3  }
0x4: {  	s4 =	rddreg [dreg:$0x2];
	s3 =	simm.s32 $0x0;
	s7 =	smul.u32 $0x320, s6  }
0x5: {  	[smem:$0x7FF] =	sst s3;
	s8 =	smul.u32 $0xC8000, s6  }
0x6: {  	s5 =	rddreg [dreg:$0x3];
	s6 =	smul.u32 $0x19000, s6;
	_ =	strace $0x80000047  }
0x7: {  	s0 =	sadd.s32 s0, s7;
	s26 =	sshrl.u32 s8, $0x3;
	s28 =	sadd.s32 s5, s7  }
0x8: {  	s10 =	sadd.s32 s4, s6;
	[dreg:$0x5] =	wrdreg s0;
	s6 =	sadd.s32 s4, s26  }
0x9: {  	[dreg:$0x6] =	wrdreg s28;
	s0 =	sadd.s32 $0x1900, s6  }
0xa: {  	s4 =	sadd.s32 $0x2580, s6;
	[dreg:$0x7] =	wrdreg s0  }
0xb: {  	s5 =	sadd.s32 $0x3200, s6;
	[dreg:$0x8] =	wrdreg s4  }
0xc: {  	s7 =	sadd.s32 $0x3E80, s6;
	[dreg:$0x9] =	wrdreg s5  }
0xd: {  	s8 =	sadd.s32 $0x4B00, s6;
	[dreg:$0xa] =	wrdreg s7  }
0xe: {  	s11 =	sadd.s32 $0x5780, s6;
	[dreg:$0xb] =	wrdreg s8  }
0xf: {  	s12 =	sadd.s32 $0x6400, s6;
	[dreg:$0xc] =	wrdreg s11  }
0x10: {  	s13 =	sadd.s32 $0x7080, s6;
	[dreg:$0xd] =	wrdreg s12  }
0x11: {  	s14 =	sadd.s32 $0x7D00, s6;
	[dreg:$0xe] =	wrdreg s13  }
0x12: {  	s15 =	sadd.s32 $0x8980, s6;
	[dreg:$0xf] =	wrdreg s14  }
0x13: {  	s16 =	sadd.s32 $0x9600, s6;
	[dreg:$0x10] =	wrdreg s15  }
0x14: {  	s17 =	sadd.s32 $0xA280, s6;
	[dreg:$0x11] =	wrdreg s16  }
0x15: {  	s18 =	sadd.s32 $0xAF00, s6;
	[dreg:$0x12] =	wrdreg s17  }
0x16: {  	s2 =	ssub.s32 $0x2, s2;
	s19 =	sadd.s32 $0xBB80, s6;
	[dreg:$0x13] =	wrdreg s18  }
0x17: {  	s9 =	sshrl.u32 s2, $0x1;
	s20 =	sadd.s32 $0xC800, s6;
	[dreg:$0x14] =	wrdreg s19  }
0x18: {  	s9 =	ssub.s32 s2, s9;
	s21 =	sadd.s32 $0xD480, s6;
	[dreg:$0x15] =	wrdreg s20  }
0x19: {  	s9 =	smax.u32 s9, $0x1;
	s22 =	sadd.s32 $0xE100, s6;
	[dreg:$0x16] =	wrdreg s21  }
0x1a: {  	s29 =	smov.u32 s10;
	s23 =	sadd.s32 $0xED80, s6;
	[dreg:$0x17] =	wrdreg s22  }
0x1b: {  	s10 =	sadd.s32 $0xC80, s10;
	s24 =	sadd.s32 $0xFA00, s6;
	[dreg:$0x18] =	wrdreg s23  }
0x1c: {  	s25 =	sadd.s32 $0x10680, s6;
	s26 =	sadd.s32 $0x11300, s6;
	[dreg:$0x19] =	wrdreg s24  }
0x1d: {  	s28 =	sadd.s32 $0x11F80, s6;
	s30 =	sadd.s32 $0x12C00, s6;
	[dreg:$0x1a] =	wrdreg s25  }
0x1e: {  	s31 =	sadd.s32 $0x13880, s6;
	s2 =	sadd.s32 $0x14500, s6;
	[dreg:$0x1b] =	wrdreg s26  }
0x1f: {  	[dreg:$0x1c] =	wrdreg s28;
	s0 =	sadd.s32 $0x15180, s6;
	s4 =	sadd.s32 $0x15E00, s6  }
0x20: {  	s5 =	sadd.s32 $0x16A80, s6;
	s7 =	sadd.s32 $0x17700, s6;
	s8 =	sadd.s32 $0x18380, s6  }
0x21: {  	s11 =	simm.s32 $0x9;
	s12 =	simm.s32 $0xC8;
	s13 =	simm.s32 $0x3200  }
0x22: {  	s14 =	simm.s32 $0x9600;
	s15 =	simm.s32 $0xFA00;
	s16 =	simm.s32 $0x15E00  }
0x23: {  	s6 =	simm.s32 $0x1;
	s17 =	simm.s32 $0x5;
	s18 =	simm.s32 $0x2  }
0x24: {  	s19 =	simm.s32 $0x6;
	s20 =	simm.s32 $0x3;
	s21 =	simm.s32 $0x7  }
0x25: {  	s22 =	simm.s32 $0x4;
	s23 =	simm.s32 $0x8;
	s24 =	simm.s32 $0x0  }
.LBB2_1:
0x26: {  	s25 =	rddreg [dreg:$0x5]  }
0x27: {  	[tilespmem:s3], [sflag:$0x9] =	stream.linear.gather [hbm4b:s25+s3], $0x1900, $0x38;
	[tilespmem:$0x1C200] =	vst v63  }
0x28: {  	_ =	swait.ge [sflag:s11], $0x1900  }
0x29: {  	[sflag:s11] =	ssyncset.done $0x0  }
0x2a: {  	[sflag:s11] =	ssyncadd.s32 $0xFFFFE700  }
0x2b: {  	[tilespmem:s13], [sflag:$0x1] =	stream.indirect.gather [hbm4b:s1+s12], $0x80, s3, s12, $0xb8;
	[tilespmem:$0x1C200] =	vst v63  }
0x2c: {  	_ = 	snop  }
0x2d: {  	[tilespmem:s14], [sflag:$0x2] =	stream.indirect.gather [hbm4b:s1+s12], $0x80, s12, s12, $0xb8;
	[tilespmem:$0x1C200] =	vst v63  }
0x2e: {  	s26 =	simm.s32 $0x190  }
0x2f: {  	[tilespmem:s15], [sflag:$0x3] =	stream.indirect.gather [hbm4b:s1+s12], $0x80, s26, s12, $0xb8;
	[tilespmem:$0x1C200] =	vst v63  }
0x30: {  	s28 =	simm.s32 $0x258;
	s25 =	simm.s32 $0x0  }
0x31: {  	[tilespmem:s16], [sflag:$0x4] =	stream.indirect.gather [hbm4b:s1+s12], $0x80, s28, s12, $0xb8;
	[tilespmem:$0x1C200] =	vst v63  }
0x32: {  	v0 =	vld [tilespmem:s25+$0x0]  }
0x33: {  	s26 =	simm.s32 $0x40  }
.LBB2_2:
0x34: {  	p0 =	sne.s32 s26, $0x63C0  }
.Ltmp0:
0x35: {  	_ = 	snop;
	(pc) =	sbr.rel @p0 .LBB2_2-.Ltmp0, $4  }
0x36: {  	_ = 	snop  }
0x37: {  	s28 =	sshra.s32 s26, $0x2;
	s26 =	sadd.s32 $0x40, s26;
	vm0 =	vlt.s32 v0, $0x1  }
0x38: {  	v1 =	vnsel vm0, $0x1, v0;
	v0 =	vld [tilespmem:s28+$0x0]  }
0x39: {  	[tilespmem:s25+$0x1900] =	vst v1;
	s25 =	smov.u32 s28  }
0x3a: {  	_ =	sdelay $0x2  }
0x3b: {  	vm0 =	vlt.s32 v0, $0x1  }
0x3c: {  	v0 =	vnsel vm0, $0x1, v0  }
0x3d: {  	s28 =	rddreg [dreg:$0x6];
	s26 =	simm.s32 $0x1900;
	[tilespmem:s25+$0x1900] =	vst v0  }
0x3e: {  	[hbm4b:s28+s3] =	stream.linear.scatter [tilespmem:s26], [sflag:$0x9], $0x1900, $0x38;
	[tilespmem:$0x1C200] =	vst v63  }
0x3f: {  	_ =	swait.ge [sflag:s11], $0x1900  }
0x40: {  	[sflag:s11] =	ssyncset.done $0x0  }
0x41: {  	[sflag:s11] =	ssyncadd.s32 $0xFFFFE700  }
0x42: {  	_ =	swait.ge [sflag:s6], $0x6400  }
0x43: {  	[sflag:s6] =	ssyncset.done $0x0  }
0x44: {  	[sflag:s6] =	ssyncadd.s32 $0xFFFF9C00  }
0x45: {  	[hbm4b:s29+s3] =	stream.linear.scatter [tilespmem:s13], [sflag:$0x5], $0x6400, $0x38;
	[tilespmem:$0x1C200] =	vst v63  }
0x46: {  	_ =	swait.ge [sflag:s17], $0x6400  }
0x47: {  	[sflag:s17] =	ssyncset.done $0x0  }
0x48: {  	s26 =	simm.s32 $0x320;
	[sflag:s17] =	ssyncadd.s32 $0xFFFF9C00  }
0x49: {  	[tilespmem:s13], [sflag:$0x1] =	stream.indirect.gather [hbm4b:s1+s12], $0x80, s26, s12, $0xb8;
	[tilespmem:$0x1C200] =	vst v63  }
0x4a: {  	_ =	swait.ge [sflag:s18], $0x6400  }
0x4b: {  	[sflag:s18] =	ssyncset.done $0x0  }
0x4c: {  	[sflag:s18] =	ssyncadd.s32 $0xFFFF9C00  }
0x4d: {  	[hbm4b:s10+s3] =	stream.linear.scatter [tilespmem:s14], [sflag:$0x6], $0x6400, $0x38;
	[tilespmem:$0x1C200] =	vst v63  }
0x4e: {  	_ =	swait.ge [sflag:s19], $0x6400  }
0x4f: {  	[sflag:s19] =	ssyncset.done $0x0  }
0x50: {  	s28 =	simm.s32 $0x3E8;
	[sflag:s19] =	ssyncadd.s32 $0xFFFF9C00  }
0x51: {  	[tilespmem:s14], [sflag:$0x2] =	stream.indirect.gather [hbm4b:s1+s12], $0x80, s28, s12, $0xb8;
	[tilespmem:$0x1C200] =	vst v63  }
0x52: {  	_ =	swait.ge [sflag:s20], $0x6400  }
0x53: {  	[sflag:s20] =	ssyncset.done $0x0  }
0x54: {  	s26 =	rddreg [dreg:$0x7];
	[sflag:s20] =	ssyncadd.s32 $0xFFFF9C00  }
0x55: {  	[hbm4b:s26+s3] =	stream.linear.scatter [tilespmem:s15], [sflag:$0x7], $0x6400, $0x38;
	[tilespmem:$0x1C200] =	vst v63  }
0x56: {  	_ =	swait.ge [sflag:s21], $0x6400  }
0x57: {  	[sflag:s21] =	ssyncset.done $0x0  }
0x58: {  	s28 =	simm.s32 $0x4B0;
	[sflag:s21] =	ssyncadd.s32 $0xFFFF9C00  }
0x59: {  	[tilespmem:s15], [sflag:$0x3] =	stream.indirect.gather [hbm4b:s1+s12], $0x80, s28, s12, $0xb8;
	[tilespmem:$0x1C200] =	vst v63  }
0x5a: {  	_ =	swait.ge [sflag:s22], $0x6400  }
0x5b: {  	[sflag:s22] =	ssyncset.done $0x0  }
0x5c: {  	s26 =	rddreg [dreg:$0x8];
	[sflag:s22] =	ssyncadd.s32 $0xFFFF9C00  }
0x5d: {  	[hbm4b:s26+s3] =	stream.linear.scatter [tilespmem:s16], [sflag:$0x8], $0x6400, $0x38;
	[tilespmem:$0x1C200] =	vst v63  }
0x5e: {  	_ =	swait.ge [sflag:s23], $0x6400  }
0x5f: {  	[sflag:s23] =	ssyncset.done $0x0  }
0x60: {  	s28 =	simm.s32 $0x578;
	[sflag:s23] =	ssyncadd.s32 $0xFFFF9C00  }
0x61: {  	[tilespmem:s16], [sflag:$0x4] =	stream.indirect.gather [hbm4b:s1+s12], $0x80, s28, s12, $0xb8;
	[tilespmem:$0x1C200] =	vst v63  }
0x62: {  	_ =	swait.ge [sflag:s6], $0x6400  }
0x63: {  	[sflag:s6] =	ssyncset.done $0x0  }
0x64: {  	s26 =	rddreg [dreg:$0x9];
	[sflag:s6] =	ssyncadd.s32 $0xFFFF9C00  }
0x65: {  	[hbm4b:s26+s3] =	stream.linear.scatter [tilespmem:s13], [sflag:$0x5], $0x6400, $0x38;
	[tilespmem:$0x1C200] =	vst v63  }
0x66: {  	_ =	swait.ge [sflag:s17], $0x6400  }
0x67: {  	[sflag:s17] =	ssyncset.done $0x0  }
0x68: {  	s28 =	simm.s32 $0x640;
	[sflag:s17] =	ssyncadd.s32 $0xFFFF9C00  }
0x69: {  	[tilespmem:s13], [sflag:$0x1] =	stream.indirect.gather [hbm4b:s1+s12], $0x80, s28, s12, $0xb8;
	[tilespmem:$0x1C200] =	vst v63  }
0x6a: {  	_ =	swait.ge [sflag:s18], $0x6400  }
0x6b: {  	[sflag:s18] =	ssyncset.done $0x0  }
0x6c: {  	s26 =	rddreg [dreg:$0xa];
	[sflag:s18] =	ssyncadd.s32 $0xFFFF9C00  }
0x6d: {  	[hbm4b:s26+s3] =	stream.linear.scatter [tilespmem:s14], [sflag:$0x6], $0x6400, $0x38;
	[tilespmem:$0x1C200] =	vst v63  }
0x6e: {  	_ =	swait.ge [sflag:s19], $0x6400  }
0x6f: {  	[sflag:s19] =	ssyncset.done $0x0  }
0x70: {  	s28 =	simm.s32 $0x708;
	[sflag:s19] =	ssyncadd.s32 $0xFFFF9C00  }
0x71: {  	[tilespmem:s14], [sflag:$0x2] =	stream.indirect.gather [hbm4b:s1+s12], $0x80, s28, s12, $0xb8;
	[tilespmem:$0x1C200] =	vst v63  }
0x72: {  	_ =	swait.ge [sflag:s20], $0x6400  }
0x73: {  	[sflag:s20] =	ssyncset.done $0x0  }
0x74: {  	s26 =	rddreg [dreg:$0xb];
	[sflag:s20] =	ssyncadd.s32 $0xFFFF9C00  }
0x75: {  	[hbm4b:s26+s3] =	stream.linear.scatter [tilespmem:s15], [sflag:$0x7], $0x6400, $0x38;
	[tilespmem:$0x1C200] =	vst v63  }
0x76: {  	_ =	swait.ge [sflag:s21], $0x6400  }
0x77: {  	[sflag:s21] =	ssyncset.done $0x0  }
0x78: {  	s28 =	simm.s32 $0x7D0;
	[sflag:s21] =	ssyncadd.s32 $0xFFFF9C00  }
0x79: {  	[tilespmem:s15], [sflag:$0x3] =	stream.indirect.gather [hbm4b:s1+s12], $0x80, s28, s12, $0xb8;
	[tilespmem:$0x1C200] =	vst v63  }
0x7a: {  	_ =	swait.ge [sflag:s22], $0x6400  }
0x7b: {  	[sflag:s22] =	ssyncset.done $0x0  }
0x7c: {  	s26 =	rddreg [dreg:$0xc];
	[sflag:s22] =	ssyncadd.s32 $0xFFFF9C00  }
0x7d: {  	[hbm4b:s26+s3] =	stream.linear.scatter [tilespmem:s16], [sflag:$0x8], $0x6400, $0x38;
	[tilespmem:$0x1C200] =	vst v63  }
0x7e: {  	_ =	swait.ge [sflag:s23], $0x6400  }
0x7f: {  	[sflag:s23] =	ssyncset.done $0x0  }
0x80: {  	s28 =	simm.s32 $0x898;
	[sflag:s23] =	ssyncadd.s32 $0xFFFF9C00  }
0x81: {  	[tilespmem:s16], [sflag:$0x4] =	stream.indirect.gather [hbm4b:s1+s12], $0x80, s28, s12, $0xb8;
	[tilespmem:$0x1C200] =	vst v63  }
0x82: {  	_ =	swait.ge [sflag:s6], $0x6400  }
0x83: {  	[sflag:s6] =	ssyncset.done $0x0  }
0x84: {  	s26 =	rddreg [dreg:$0xd];
	[sflag:s6] =	ssyncadd.s32 $0xFFFF9C00  }
0x85: {  	[hbm4b:s26+s3] =	stream.linear.scatter [tilespmem:s13], [sflag:$0x5], $0x6400, $0x38;
	[tilespmem:$0x1C200] =	vst v63  }
0x86: {  	_ =	swait.ge [sflag:s17], $0x6400  }
0x87: {  	[sflag:s17] =	ssyncset.done $0x0  }
0x88: {  	s28 =	simm.s32 $0x960;
	[sflag:s17] =	ssyncadd.s32 $0xFFFF9C00  }
0x89: {  	[tilespmem:s13], [sflag:$0x1] =	stream.indirect.gather [hbm4b:s1+s12], $0x80, s28, s12, $0xb8;
	[tilespmem:$0x1C200] =	vst v63  }
0x8a: {  	_ =	swait.ge [sflag:s18], $0x6400  }
0x8b: {  	[sflag:s18] =	ssyncset.done $0x0  }
0x8c: {  	s26 =	rddreg [dreg:$0xe];
	[sflag:s18] =	ssyncadd.s32 $0xFFFF9C00  }
0x8d: {  	[hbm4b:s26+s3] =	stream.linear.scatter [tilespmem:s14], [sflag:$0x6], $0x6400, $0x38;
	[tilespmem:$0x1C200] =	vst v63  }
0x8e: {  	_ =	swait.ge [sflag:s19], $0x6400  }
0x8f: {  	[sflag:s19] =	ssyncset.done $0x0  }
0x90: {  	s28 =	simm.s32 $0xA28;
	[sflag:s19] =	ssyncadd.s32 $0xFFFF9C00  }
0x91: {  	[tilespmem:s14], [sflag:$0x2] =	stream.indirect.gather [hbm4b:s1+s12], $0x80, s28, s12, $0xb8;
	[tilespmem:$0x1C200] =	vst v63  }
0x92: {  	_ =	swait.ge [sflag:s20], $0x6400  }
0x93: {  	[sflag:s20] =	ssyncset.done $0x0  }
0x94: {  	s26 =	rddreg [dreg:$0xf];
	[sflag:s20] =	ssyncadd.s32 $0xFFFF9C00  }
0x95: {  	[hbm4b:s26+s3] =	stream.linear.scatter [tilespmem:s15], [sflag:$0x7], $0x6400, $0x38;
	[tilespmem:$0x1C200] =	vst v63  }
0x96: {  	_ =	swait.ge [sflag:s21], $0x6400  }
0x97: {  	[sflag:s21] =	ssyncset.done $0x0  }
0x98: {  	s28 =	simm.s32 $0xAF0;
	[sflag:s21] =	ssyncadd.s32 $0xFFFF9C00  }
0x99: {  	[tilespmem:s15], [sflag:$0x3] =	stream.indirect.gather [hbm4b:s1+s12], $0x80, s28, s12, $0xb8;
	[tilespmem:$0x1C200] =	vst v63  }
0x9a: {  	_ =	swait.ge [sflag:s22], $0x6400  }
0x9b: {  	[sflag:s22] =	ssyncset.done $0x0  }
0x9c: {  	s26 =	rddreg [dreg:$0x10];
	[sflag:s22] =	ssyncadd.s32 $0xFFFF9C00  }
0x9d: {  	[hbm4b:s26+s3] =	stream.linear.scatter [tilespmem:s16], [sflag:$0x8], $0x6400, $0x38;
	[tilespmem:$0x1C200] =	vst v63  }
0x9e: {  	_ =	swait.ge [sflag:s23], $0x6400  }
0x9f: {  	[sflag:s23] =	ssyncset.done $0x0  }
0xa0: {  	s28 =	simm.s32 $0xBB8;
	[sflag:s23] =	ssyncadd.s32 $0xFFFF9C00  }
0xa1: {  	[tilespmem:s16], [sflag:$0x4] =	stream.indirect.gather [hbm4b:s1+s12], $0x80, s28, s12, $0xb8;
	[tilespmem:$0x1C200] =	vst v63  }
0xa2: {  	_ =	swait.ge [sflag:s6], $0x6400  }
0xa3: {  	[sflag:s6] =	ssyncset.done $0x0  }
0xa4: {  	s26 =	rddreg [dreg:$0x11];
	[sflag:s6] =	ssyncadd.s32 $0xFFFF9C00  }
0xa5: {  	[hbm4b:s26+s3] =	stream.linear.scatter [tilespmem:s13], [sflag:$0x5], $0x6400, $0x38;
	[tilespmem:$0x1C200] =	vst v63  }
0xa6: {  	_ =	swait.ge [sflag:s17], $0x6400  }
0xa7: {  	[sflag:s17] =	ssyncset.done $0x0  }
0xa8: {  	s28 =	simm.s32 $0xC80;
	[sflag:s17] =	ssyncadd.s32 $0xFFFF9C00  }
0xa9: {  	[tilespmem:s13], [sflag:$0x1] =	stream.indirect.gather [hbm4b:s1+s12], $0x80, s28, s12, $0xb8;
	[tilespmem:$0x1C200] =	vst v63  }
0xaa: {  	_ =	swait.ge [sflag:s18], $0x6400  }
0xab: {  	[sflag:s18] =	ssyncset.done $0x0  }
0xac: {  	s26 =	rddreg [dreg:$0x12];
	[sflag:s18] =	ssyncadd.s32 $0xFFFF9C00  }
0xad: {  	[hbm4b:s26+s3] =	stream.linear.scatter [tilespmem:s14], [sflag:$0x6], $0x6400, $0x38;
	[tilespmem:$0x1C200] =	vst v63  }
0xae: {  	_ =	swait.ge [sflag:s19], $0x6400  }
0xaf: {  	[sflag:s19] =	ssyncset.done $0x0  }
0xb0: {  	s28 =	simm.s32 $0xD48;
	[sflag:s19] =	ssyncadd.s32 $0xFFFF9C00  }
0xb1: {  	[tilespmem:s14], [sflag:$0x2] =	stream.indirect.gather [hbm4b:s1+s12], $0x80, s28, s12, $0xb8;
	[tilespmem:$0x1C200] =	vst v63  }
0xb2: {  	_ =	swait.ge [sflag:s20], $0x6400  }
0xb3: {  	[sflag:s20] =	ssyncset.done $0x0  }
0xb4: {  	s26 =	rddreg [dreg:$0x13];
	[sflag:s20] =	ssyncadd.s32 $0xFFFF9C00  }
0xb5: {  	[hbm4b:s26+s3] =	stream.linear.scatter [tilespmem:s15], [sflag:$0x7], $0x6400, $0x38;
	[tilespmem:$0x1C200] =	vst v63  }
0xb6: {  	_ =	swait.ge [sflag:s21], $0x6400  }
0xb7: {  	[sflag:s21] =	ssyncset.done $0x0  }
0xb8: {  	s28 =	simm.s32 $0xE10;
	[sflag:s21] =	ssyncadd.s32 $0xFFFF9C00  }
0xb9: {  	[tilespmem:s15], [sflag:$0x3] =	stream.indirect.gather [hbm4b:s1+s12], $0x80, s28, s12, $0xb8;
	[tilespmem:$0x1C200] =	vst v63  }
0xba: {  	_ =	swait.ge [sflag:s22], $0x6400  }
0xbb: {  	[sflag:s22] =	ssyncset.done $0x0  }
0xbc: {  	s26 =	rddreg [dreg:$0x14];
	[sflag:s22] =	ssyncadd.s32 $0xFFFF9C00  }
0xbd: {  	[hbm4b:s26+s3] =	stream.linear.scatter [tilespmem:s16], [sflag:$0x8], $0x6400, $0x38;
	[tilespmem:$0x1C200] =	vst v63  }
0xbe: {  	_ =	swait.ge [sflag:s23], $0x6400  }
0xbf: {  	[sflag:s23] =	ssyncset.done $0x0  }
0xc0: {  	s28 =	simm.s32 $0xED8;
	[sflag:s23] =	ssyncadd.s32 $0xFFFF9C00  }
0xc1: {  	[tilespmem:s16], [sflag:$0x4] =	stream.indirect.gather [hbm4b:s1+s12], $0x80, s28, s12, $0xb8;
	[tilespmem:$0x1C200] =	vst v63  }
0xc2: {  	_ =	swait.ge [sflag:s6], $0x6400  }
0xc3: {  	[sflag:s6] =	ssyncset.done $0x0  }
0xc4: {  	s26 =	rddreg [dreg:$0x15];
	[sflag:s6] =	ssyncadd.s32 $0xFFFF9C00  }
0xc5: {  	[hbm4b:s26+s3] =	stream.linear.scatter [tilespmem:s13], [sflag:$0x5], $0x6400, $0x38;
	[tilespmem:$0x1C200] =	vst v63  }
0xc6: {  	_ =	swait.ge [sflag:s17], $0x6400  }
0xc7: {  	[sflag:s17] =	ssyncset.done $0x0  }
0xc8: {  	s28 =	simm.s32 $0xFA0;
	[sflag:s17] =	ssyncadd.s32 $0xFFFF9C00  }
0xc9: {  	[tilespmem:s13], [sflag:$0x1] =	stream.indirect.gather [hbm4b:s1+s12], $0x80, s28, s12, $0xb8;
	[tilespmem:$0x1C200] =	vst v63  }
0xca: {  	_ =	swait.ge [sflag:s18], $0x6400  }
0xcb: {  	[sflag:s18] =	ssyncset.done $0x0  }
0xcc: {  	s26 =	rddreg [dreg:$0x16];
	[sflag:s18] =	ssyncadd.s32 $0xFFFF9C00  }
0xcd: {  	[hbm4b:s26+s3] =	stream.linear.scatter [tilespmem:s14], [sflag:$0x6], $0x6400, $0x38;
	[tilespmem:$0x1C200] =	vst v63  }
0xce: {  	_ =	swait.ge [sflag:s19], $0x6400  }
0xcf: {  	[sflag:s19] =	ssyncset.done $0x0  }
0xd0: {  	s28 =	simm.s32 $0x1068;
	[sflag:s19] =	ssyncadd.s32 $0xFFFF9C00  }
0xd1: {  	[tilespmem:s14], [sflag:$0x2] =	stream.indirect.gather [hbm4b:s1+s12], $0x80, s28, s12, $0xb8;
	[tilespmem:$0x1C200] =	vst v63  }
0xd2: {  	_ =	swait.ge [sflag:s20], $0x6400  }
0xd3: {  	[sflag:s20] =	ssyncset.done $0x0  }
0xd4: {  	s26 =	rddreg [dreg:$0x17];
	[sflag:s20] =	ssyncadd.s32 $0xFFFF9C00  }
0xd5: {  	[hbm4b:s26+s3] =	stream.linear.scatter [tilespmem:s15], [sflag:$0x7], $0x6400, $0x38;
	[tilespmem:$0x1C200] =	vst v63  }
0xd6: {  	_ =	swait.ge [sflag:s21], $0x6400  }
0xd7: {  	[sflag:s21] =	ssyncset.done $0x0  }
0xd8: {  	s28 =	simm.s32 $0x1130;
	[sflag:s21] =	ssyncadd.s32 $0xFFFF9C00  }
0xd9: {  	[tilespmem:s15], [sflag:$0x3] =	stream.indirect.gather [hbm4b:s1+s12], $0x80, s28, s12, $0xb8;
	[tilespmem:$0x1C200] =	vst v63  }
0xda: {  	_ =	swait.ge [sflag:s22], $0x6400  }
0xdb: {  	[sflag:s22] =	ssyncset.done $0x0  }
0xdc: {  	s26 =	rddreg [dreg:$0x18];
	[sflag:s22] =	ssyncadd.s32 $0xFFFF9C00  }
0xdd: {  	[hbm4b:s26+s3] =	stream.linear.scatter [tilespmem:s16], [sflag:$0x8], $0x6400, $0x38;
	[tilespmem:$0x1C200] =	vst v63  }
0xde: {  	_ =	swait.ge [sflag:s23], $0x6400  }
0xdf: {  	[sflag:s23] =	ssyncset.done $0x0  }
0xe0: {  	s28 =	simm.s32 $0x11F8;
	[sflag:s23] =	ssyncadd.s32 $0xFFFF9C00  }
0xe1: {  	[tilespmem:s16], [sflag:$0x4] =	stream.indirect.gather [hbm4b:s1+s12], $0x80, s28, s12, $0xb8;
	[tilespmem:$0x1C200] =	vst v63  }
0xe2: {  	_ =	swait.ge [sflag:s6], $0x6400  }
0xe3: {  	[sflag:s6] =	ssyncset.done $0x0  }
0xe4: {  	s26 =	rddreg [dreg:$0x19];
	[sflag:s6] =	ssyncadd.s32 $0xFFFF9C00  }
0xe5: {  	[hbm4b:s26+s3] =	stream.linear.scatter [tilespmem:s13], [sflag:$0x5], $0x6400, $0x38;
	[tilespmem:$0x1C200] =	vst v63  }
0xe6: {  	_ =	swait.ge [sflag:s17], $0x6400  }
0xe7: {  	[sflag:s17] =	ssyncset.done $0x0  }
0xe8: {  	s28 =	simm.s32 $0x12C0;
	[sflag:s17] =	ssyncadd.s32 $0xFFFF9C00  }
0xe9: {  	[tilespmem:s13], [sflag:$0x1] =	stream.indirect.gather [hbm4b:s1+s12], $0x80, s28, s12, $0xb8;
	[tilespmem:$0x1C200] =	vst v63  }
0xea: {  	_ =	swait.ge [sflag:s18], $0x6400  }
0xeb: {  	[sflag:s18] =	ssyncset.done $0x0  }
0xec: {  	s26 =	rddreg [dreg:$0x1a];
	[sflag:s18] =	ssyncadd.s32 $0xFFFF9C00  }
0xed: {  	[hbm4b:s26+s3] =	stream.linear.scatter [tilespmem:s14], [sflag:$0x6], $0x6400, $0x38;
	[tilespmem:$0x1C200] =	vst v63  }
0xee: {  	_ =	swait.ge [sflag:s19], $0x6400  }
0xef: {  	[sflag:s19] =	ssyncset.done $0x0  }
0xf0: {  	s28 =	simm.s32 $0x1388;
	[sflag:s19] =	ssyncadd.s32 $0xFFFF9C00  }
0xf1: {  	[tilespmem:s14], [sflag:$0x2] =	stream.indirect.gather [hbm4b:s1+s12], $0x80, s28, s12, $0xb8;
	[tilespmem:$0x1C200] =	vst v63  }
0xf2: {  	_ =	swait.ge [sflag:s20], $0x6400  }
0xf3: {  	[sflag:s20] =	ssyncset.done $0x0  }
0xf4: {  	s26 =	rddreg [dreg:$0x1b];
	[sflag:s20] =	ssyncadd.s32 $0xFFFF9C00  }
0xf5: {  	[hbm4b:s26+s3] =	stream.linear.scatter [tilespmem:s15], [sflag:$0x7], $0x6400, $0x38;
	[tilespmem:$0x1C200] =	vst v63  }
0xf6: {  	_ =	swait.ge [sflag:s21], $0x6400  }
0xf7: {  	[sflag:s21] =	ssyncset.done $0x0  }
0xf8: {  	s28 =	simm.s32 $0x1450;
	[sflag:s21] =	ssyncadd.s32 $0xFFFF9C00  }
0xf9: {  	[tilespmem:s15], [sflag:$0x3] =	stream.indirect.gather [hbm4b:s1+s12], $0x80, s28, s12, $0xb8;
	[tilespmem:$0x1C200] =	vst v63  }
0xfa: {  	_ =	swait.ge [sflag:s22], $0x6400  }
0xfb: {  	[sflag:s22] =	ssyncset.done $0x0  }
0xfc: {  	s26 =	rddreg [dreg:$0x1c];
	[sflag:s22] =	ssyncadd.s32 $0xFFFF9C00  }
0xfd: {  	[hbm4b:s26+s3] =	stream.linear.scatter [tilespmem:s16], [sflag:$0x8], $0x6400, $0x38;
	[tilespmem:$0x1C200] =	vst v63  }
0xfe: {  	_ =	swait.ge [sflag:s23], $0x6400  }
0xff: {  	[sflag:s23] =	ssyncset.done $0x0  }
0x100: {  	s28 =	simm.s32 $0x1518;
	[sflag:s23] =	ssyncadd.s32 $0xFFFF9C00  }
0x101: {  	[tilespmem:s16], [sflag:$0x4] =	stream.indirect.gather [hbm4b:s1+s12], $0x80, s28, s12, $0xb8;
	[tilespmem:$0x1C200] =	vst v63  }
0x102: {  	_ =	swait.ge [sflag:s6], $0x6400  }
0x103: {  	[sflag:s6] =	ssyncset.done $0x0  }
0x104: {  	[sflag:s6] =	ssyncadd.s32 $0xFFFF9C00  }
0x105: {  	[hbm4b:s30+s3] =	stream.linear.scatter [tilespmem:s13], [sflag:$0x5], $0x6400, $0x38;
	[tilespmem:$0x1C200] =	vst v63  }
0x106: {  	_ =	swait.ge [sflag:s17], $0x6400  }
0x107: {  	[sflag:s17] =	ssyncset.done $0x0  }
0x108: {  	s26 =	simm.s32 $0x15E0;
	[sflag:s17] =	ssyncadd.s32 $0xFFFF9C00  }
0x109: {  	[tilespmem:s13], [sflag:$0x1] =	stream.indirect.gather [hbm4b:s1+s12], $0x80, s26, s12, $0xb8;
	[tilespmem:$0x1C200] =	vst v63  }
0x10a: {  	_ =	swait.ge [sflag:s18], $0x6400  }
0x10b: {  	[sflag:s18] =	ssyncset.done $0x0  }
0x10c: {  	[sflag:s18] =	ssyncadd.s32 $0xFFFF9C00  }
0x10d: {  	[hbm4b:s31+s3] =	stream.linear.scatter [tilespmem:s14], [sflag:$0x6], $0x6400, $0x38;
	[tilespmem:$0x1C200] =	vst v63  }
0x10e: {  	_ =	swait.ge [sflag:s19], $0x6400  }
0x10f: {  	[sflag:s19] =	ssyncset.done $0x0  }
0x110: {  	s28 =	simm.s32 $0x16A8;
	[sflag:s19] =	ssyncadd.s32 $0xFFFF9C00  }
0x111: {  	[tilespmem:s14], [sflag:$0x2] =	stream.indirect.gather [hbm4b:s1+s12], $0x80, s28, s12, $0xb8;
	[tilespmem:$0x1C200] =	vst v63  }
0x112: {  	_ =	swait.ge [sflag:s20], $0x6400  }
0x113: {  	[sflag:s20] =	ssyncset.done $0x0  }
0x114: {  	[sflag:s20] =	ssyncadd.s32 $0xFFFF9C00  }
0x115: {  	[hbm4b:s2+s3] =	stream.linear.scatter [tilespmem:s15], [sflag:$0x7], $0x6400, $0x38;
	[tilespmem:$0x1C200] =	vst v63  }
0x116: {  	_ =	swait.ge [sflag:s21], $0x6400  }
0x117: {  	[sflag:s21] =	ssyncset.done $0x0  }
0x118: {  	s26 =	simm.s32 $0x1770;
	[sflag:s21] =	ssyncadd.s32 $0xFFFF9C00  }
0x119: {  	[tilespmem:s15], [sflag:$0x3] =	stream.indirect.gather [hbm4b:s1+s12], $0x80, s26, s12, $0xb8;
	[tilespmem:$0x1C200] =	vst v63  }
0x11a: {  	_ =	swait.ge [sflag:s22], $0x6400  }
0x11b: {  	[sflag:s22] =	ssyncset.done $0x0  }
0x11c: {  	[sflag:s22] =	ssyncadd.s32 $0xFFFF9C00  }
0x11d: {  	[hbm4b:s0+s3] =	stream.linear.scatter [tilespmem:s16], [sflag:$0x8], $0x6400, $0x38;
	[tilespmem:$0x1C200] =	vst v63  }
0x11e: {  	_ =	swait.ge [sflag:s23], $0x6400  }
0x11f: {  	[sflag:s23] =	ssyncset.done $0x0  }
0x120: {  	s28 =	simm.s32 $0x1838;
	[sflag:s23] =	ssyncadd.s32 $0xFFFF9C00  }
0x121: {  	[tilespmem:s16], [sflag:$0x4] =	stream.indirect.gather [hbm4b:s1+s12], $0x80, s28, s12, $0xb8;
	[tilespmem:$0x1C200] =	vst v63  }
0x122: {  	_ =	swait.ge [sflag:s6], $0x6400  }
0x123: {  	[sflag:s6] =	ssyncset.done $0x0  }
0x124: {  	[sflag:s6] =	ssyncadd.s32 $0xFFFF9C00  }
0x125: {  	[hbm4b:s4+s3] =	stream.linear.scatter [tilespmem:s13], [sflag:$0x5], $0x6400, $0x38;
	[tilespmem:$0x1C200] =	vst v63  }
0x126: {  	_ =	swait.ge [sflag:s18], $0x6400  }
0x127: {  	[sflag:s18] =	ssyncset.done $0x0  }
0x128: {  	[sflag:s18] =	ssyncadd.s32 $0xFFFF9C00  }
0x129: {  	[hbm4b:s5+s3] =	stream.linear.scatter [tilespmem:s14], [sflag:$0x6], $0x6400, $0x38;
	[tilespmem:$0x1C200] =	vst v63  }
0x12a: {  	_ =	swait.ge [sflag:s20], $0x6400  }
0x12b: {  	[sflag:s20] =	ssyncset.done $0x0  }
0x12c: {  	[sflag:s20] =	ssyncadd.s32 $0xFFFF9C00  }
0x12d: {  	[hbm4b:s7+s3] =	stream.linear.scatter [tilespmem:s15], [sflag:$0x7], $0x6400, $0x38;
	[tilespmem:$0x1C200] =	vst v63  }
0x12e: {  	_ =	swait.ge [sflag:s22], $0x6400  }
0x12f: {  	[sflag:s22] =	ssyncset.done $0x0  }
0x130: {  	[sflag:s22] =	ssyncadd.s32 $0xFFFF9C00  }
0x131: {  	[hbm4b:s8+s3] =	stream.linear.scatter [tilespmem:s16], [sflag:$0x8], $0x6400, $0x38;
	[tilespmem:$0x1C200] =	vst v63  }
0x132: {  	_ =	swait.ge [sflag:s17], $0x6400  }
0x133: {  	[sflag:s17] =	ssyncset.done $0x0  }
0x134: {  	[sflag:s17] =	ssyncadd.s32 $0xFFFF9C00  }
0x135: {  	_ =	swait.ge [sflag:s19], $0x6400  }
0x136: {  	[sflag:s19] =	ssyncset.done $0x0  }
0x137: {  	s24 =	sadd.s32 $0x1, s24;
	[sflag:s19] =	ssyncadd.s32 $0xFFFF9C00  }
0x138: {  	p0 =	sne.s32 s24, s9;
	_ =	swait.ge [sflag:s21], $0x6400  }
.Ltmp1:
0x139: {  	[sflag:s21] =	ssyncset.done $0x0;
	(pc) =	sbr.rel @p0 .LBB2_1-.Ltmp1, $4  }
0x13a: {  	[sflag:s21] =	ssyncadd.s32 $0xFFFF9C00  }
0x13b: {  	_ =	swait.ge [sflag:s23], $0x6400  }
0x13c: {  	[sflag:s23] =	ssyncset.done $0x0  }
0x13d: {  	[sflag:s23] =	ssyncadd.s32 $0xFFFF9C00  }
0x13e: {  	_ =	sfence.sel $0x180000  }
0x13f: {  	[bflag:$0x0] =	sbarrier.arrive $0xFFFF  }
0x140: {  	_ =	strace $0x90000047  }
0x141: {  	s0 =	stileid.u32;
	[bflag:$0x2] =	sbarrier.arrive $0xFFFF  }
0x142: {  	p0 =	sne.s32 s0, $0x0;
	s0 =	rddreg [dreg:$0x4]  }
0x143: {  	s0 =	sadd.s32 @!p0 $0x100000, s0  }
0x144: {  	[sflag:s0] =	ssyncadd.tile.s32 @!p0 $0x1;
	_ =	shalt  }
.Lfunc_end2:
_tile_overlayer_lowered:
.L_overlay_start_2:
0x145: {  	(tag) =	ssettag $0x2  }
0x146: {  	s0 =	rddreg [dreg:$0x0];
	s2 =	stileid.u32  }
0x147: {  	s1 =	rddreg [dreg:$0x1];
	p0 =	sne.s32 s2, $0x0  }
0x148: {  	s3 =	rddreg [dreg:$0x2];
	[bflag:$0x3] =	sbarrier.arrive $0xFFFF;
	s2 =	simm.s32 @!p0 $0x1C09  }
0x149: {  	[timem:s3], [sflag:s2] =	dma.local @!p0 [hbm:s0], s1  }
0x14a: {  	s0 =	simm.s32 @!p0 $0x9  }
0x14b: {  	_ =	swait.ge @!p0 [sflag:s0], s1  }
0x14c: {  	s1 =	ssub.s32 @!p0 $0x0, s1;
	[sflag:s0] =	ssyncset.done @!p0 $0x0  }
0x14d: {  	[sflag:s0] =	ssyncadd.s32 @!p0 s1  }
0x14e: {  	[bflag:$0x3] =	sbarrier.arrive $0xFFFF  }
0x14f: {  	_ =	shalt  }

</sc_bundles>
